<compile_context>
chip_gen: v7x
topology: tpu7x:2x2x1
jax: 0.10.2.dev20260603
libtpu: 0.0.44.dev20260713+nightly
codegen_flags: <defaults>
</compile_context>

<pallas_src>
import functools

import jax
import jax.numpy as jnp
from jax import lax
from jax.experimental import pallas as pl
from jax.experimental.pallas import tpu as pltpu
from jax.experimental.pallas import tpu_sc as plsc

N_ROWS = 320000
D = 128
NSEG = 1024
NC = 2
NS = 16
NW = NC * NS
ROWS_PER_W = N_ROWS // NW
CHUNK = 40
SUB = 40
NSUB = CHUNK // SUB
NCHUNK = ROWS_PER_W // CHUNK
NBUF = 6
ROWS_PER_TILE_OUT = NSEG // NS


def _sc_body(x_hbm, b_hbm, z_hbm, out_hbm, *refs):
    xbufs = refs[0:NBUF]
    ibufs = refs[NBUF:2 * NBUF]
    n = 2 * NBUF
    isml = tuple(
        tuple(refs[n + b * NSUB + j] for j in range(NSUB)) for b in range(NBUF)
    )
    n += NBUF * NSUB
    acc = refs[n]
    sems = refs[n + 1:n + 1 + NBUF]
    ssems = refs[n + 1 + NBUF:]

    c = lax.axis_index("c")
    s = lax.axis_index("s")
    wid = c * NS + s
    base_w = wid * ROWS_PER_W

    def issue(i, b):
        base = base_w + i * CHUNK
        pltpu.make_async_copy(x_hbm.at[pl.ds(base, CHUNK)], xbufs[b], sems[b]).start()
        pltpu.make_async_copy(b_hbm.at[pl.ds(base, CHUNK)], ibufs[b], sems[b]).start()

    def fire_scatters(b):
        pltpu.make_async_copy(x_hbm.at[pl.ds(base_w, CHUNK)], xbufs[b], sems[b]).wait()
        pltpu.make_async_copy(b_hbm.at[pl.ds(base_w, CHUNK)], ibufs[b], sems[b]).wait()
        for j in range(NSUB):
            for k in range(SUB // 16):
                isml[b][j][pl.ds(k * 16, 16)] = ibufs[b][pl.ds(j * SUB + k * 16, 16)]
        for j in range(NSUB):
            pltpu.async_copy(
                xbufs[b].at[pl.ds(j * SUB, SUB)], acc.at[isml[b][j]], ssems[b],
                add=True,
            )

    def drain_scatters(b):
        for j in range(NSUB):
            pltpu.make_async_copy(
                xbufs[b].at[pl.ds(j * SUB, SUB)], acc.at[isml[b][j]], ssems[b]
            ).wait()

    for b in range(NBUF):
        issue(b, b)
    pltpu.sync_copy(z_hbm, acc.at[pl.ds(s * ROWS_PER_TILE_OUT, ROWS_PER_TILE_OUT)])
    plsc.subcore_barrier()

    def outer(g, carry):
        for b in range(NBUF):
            i = g * NBUF + b
            fire_scatters(b)

            @pl.when(i + NBUF < NCHUNK)
            def _():
                drain_scatters(b)
                issue(i + NBUF, b)

        return carry

    lax.fori_loop(0, NCHUNK // NBUF, outer, 0)
    for r in range(NCHUNK % NBUF):
        fire_scatters(r)
    for b in range(NBUF):
        drain_scatters(b)

    plsc.subcore_barrier()
    row0 = s * ROWS_PER_TILE_OUT
    pltpu.sync_copy(
        acc.at[pl.ds(row0, ROWS_PER_TILE_OUT)],
        out_hbm.at[pl.ds(c * NSEG + row0, ROWS_PER_TILE_OUT)],
    )


def _combine_body(p_ref, o_ref):
    o_ref[...] = p_ref[0] + p_ref[1]


def kernel(x, batch):
    batch = batch.astype(jnp.int32)
    zeros = jnp.zeros((ROWS_PER_TILE_OUT, D), jnp.float32)

    mesh = plsc.VectorSubcoreMesh(core_axis_name="c", subcore_axis_name="s")
    scratch = (
        [pltpu.VMEM((CHUNK, D), jnp.float32) for _ in range(NBUF)]
        + [pltpu.VMEM((CHUNK,), jnp.int32) for _ in range(NBUF)]
        + [pltpu.VMEM((SUB,), jnp.int32) for _ in range(NBUF * NSUB)]
        + [pltpu.VMEM_SHARED((NSEG, D), jnp.float32)]
        + [pltpu.SemaphoreType.DMA for _ in range(2 * NBUF)]
    )
    partials = pl.kernel(
        _sc_body,
        out_type=jax.ShapeDtypeStruct((NC * NSEG, D), jnp.float32),
        mesh=mesh,
        scratch_types=scratch,
    )(x, batch, zeros)

    out = pl.pallas_call(
        _combine_body,
        out_shape=jax.ShapeDtypeStruct((NSEG, D), jnp.float32),
    )(partials.reshape(NC, NSEG, D))
    return out

# --- scband reference (transcript-rebuilt; emitter-appended) ---
"""Pipeline reference for scband-graph-encoder-21930103013405 (READ-ONLY COPY).

The authoritative reference and input builder live on the scoring server;
editing this copy changes nothing except your own understanding.
"""

import jax, jax.numpy as jnp
import numpy as np

NUM_SEGMENTS = 1024

def setup_inputs(seed: int = 0) -> dict:
    key = jax.random.key(seed)
    k1, k2 = jax.random.split(key)
    x = jax.random.normal(k1, (320000, 128), dtype=jnp.float32)
    batch = jnp.sort(jax.random.randint(k2, (320000,), 0, NUM_SEGMENTS, dtype=jnp.int64))
    return {"x": x, "batch": batch}

def reference(x, batch):
    # global_add_pool: sum node features per graph (segment)
    out = jax.ops.segment_sum(x, batch, num_segments=NUM_SEGMENTS)
    return out

if __name__ == "__main__":
    import jax
    _d = setup_inputs()
    print(jax.jit(kernel)(*tuple(_d.values())))

</pallas_src>

<mosaic_0001>
#map = affine_map<(d0, d1) -> (0, 0)>
#map1 = affine_map<(d0, d1) -> (0)>
module attributes {stable_mosaic.version = 14 : i64} {
  func.func @_sc_body(%arg0: i32, %arg1: i32, %arg2: memref<320000x128xf32, #tpu.memory_space<hbm>>, %arg3: memref<320000xi32, #tpu.memory_space<hbm>>, %arg4: memref<64x128xf32, #tpu.memory_space<hbm>>, %arg5: memref<2048x128xf32, #tpu.memory_space<hbm>>, %arg6: memref<40x128xf32, #tpu.memory_space<vmem>>, %arg7: memref<40x128xf32, #tpu.memory_space<vmem>>, %arg8: memref<40x128xf32, #tpu.memory_space<vmem>>, %arg9: memref<40x128xf32, #tpu.memory_space<vmem>>, %arg10: memref<40x128xf32, #tpu.memory_space<vmem>>, %arg11: memref<40x128xf32, #tpu.memory_space<vmem>>, %arg12: memref<40xi32, #tpu.memory_space<vmem>>, %arg13: memref<40xi32, #tpu.memory_space<vmem>>, %arg14: memref<40xi32, #tpu.memory_space<vmem>>, %arg15: memref<40xi32, #tpu.memory_space<vmem>>, %arg16: memref<40xi32, #tpu.memory_space<vmem>>, %arg17: memref<40xi32, #tpu.memory_space<vmem>>, %arg18: memref<40xi32, #tpu.memory_space<vmem>>, %arg19: memref<40xi32, #tpu.memory_space<vmem>>, %arg20: memref<40xi32, #tpu.memory_space<vmem>>, %arg21: memref<40xi32, #tpu.memory_space<vmem>>, %arg22: memref<40xi32, #tpu.memory_space<vmem>>, %arg23: memref<40xi32, #tpu.memory_space<vmem>>, %arg24: memref<1024x128xf32, #tpu.memory_space<vmem_shared>>, %arg25: memref<!tpu.dma_semaphore, #tpu.memory_space<semaphore_mem>>, %arg26: memref<!tpu.dma_semaphore, #tpu.memory_space<semaphore_mem>>, %arg27: memref<!tpu.dma_semaphore, #tpu.memory_space<semaphore_mem>>, %arg28: memref<!tpu.dma_semaphore, #tpu.memory_space<semaphore_mem>>, %arg29: memref<!tpu.dma_semaphore, #tpu.memory_space<semaphore_mem>>, %arg30: memref<!tpu.dma_semaphore, #tpu.memory_space<semaphore_mem>>, %arg31: memref<!tpu.dma_semaphore, #tpu.memory_space<semaphore_mem>>, %arg32: memref<!tpu.dma_semaphore, #tpu.memory_space<semaphore_mem>>, %arg33: memref<!tpu.dma_semaphore, #tpu.memory_space<semaphore_mem>>, %arg34: memref<!tpu.dma_semaphore, #tpu.memory_space<semaphore_mem>>, %arg35: memref<!tpu.dma_semaphore, #tpu.memory_space<semaphore_mem>>, %arg36: memref<!tpu.dma_semaphore, #tpu.memory_space<semaphore_mem>>) attributes {dimension_semantics = [#tpu.dimension_semantics<core_parallel>, #tpu.dimension_semantics<subcore_parallel>], iteration_bounds = array<i64: 2, 16>, scalar_prefetch = 0 : i64, scratch_operands = 31 : i64, tpu.core_type = #tpu.core_type<sc_vector_subcore>, window_params = [{transform_indices = #map}, {transform_indices = #map1}, {transform_indices = #map}, {transform_indices = #map}]} {
    %mul3A = arith.constant 16 : i32
    %mul3A_0 = arith.muli %arg0, %mul3A : i32
    %add3A = arith.addi %mul3A_0, %arg1 : i32
    %mul3A_1 = arith.constant 10000 : i32
    %mul3A_2 = arith.muli %add3A, %mul3A_1 : i32
    %add3A_3 = arith.constant 0 : i32
    %add3A_4 = arith.addi %mul3A_2, %add3A_3 : i32
    %dma_start3A = arith.constant 0 : i32
    %dma_start3A_5 = tpu.memref_slice %arg2[%add3A_4, %dma_start3A] : memref<320000x128xf32, #tpu.memory_space<hbm>> -> memref<40x128xf32, #tpu.memory_space<hbm>>
    %dma_start3A_6 = arith.constant 0 : i32
    %dma_start3A_7 = tpu.memref_slice %arg2[%add3A_4, %dma_start3A_6] : memref<320000x128xf32, #tpu.memory_space<hbm>> -> memref<40x128xf32, #tpu.memory_space<hbm>>
    tpu.enqueue_dma source(%dma_start3A_7 : memref<40x128xf32, #tpu.memory_space<hbm>>) target(%arg6 : memref<40x128xf32, #tpu.memory_space<vmem>>) target_semaphore(%arg25 : memref<!tpu.dma_semaphore, #tpu.memory_space<semaphore_mem>>)
    %dma_start3A_8 = tpu.memref_slice %arg3[%add3A_4] : memref<320000xi32, #tpu.memory_space<hbm>> -> memref<40xi32, #tpu.memory_space<hbm>>
    %dma_start3A_9 = tpu.memref_slice %arg3[%add3A_4] : memref<320000xi32, #tpu.memory_space<hbm>> -> memref<40xi32, #tpu.memory_space<hbm>>
    tpu.enqueue_dma source(%dma_start3A_9 : memref<40xi32, #tpu.memory_space<hbm>>) target(%arg12 : memref<40xi32, #tpu.memory_space<vmem>>) target_semaphore(%arg25 : memref<!tpu.dma_semaphore, #tpu.memory_space<semaphore_mem>>)
    %add3A_10 = arith.constant 40 : i32
    %add3A_11 = arith.addi %mul3A_2, %add3A_10 : i32
    %dma_start3A_12 = arith.constant 0 : i32
    %dma_start3A_13 = tpu.memref_slice %arg2[%add3A_11, %dma_start3A_12] : memref<320000x128xf32, #tpu.memory_space<hbm>> -> memref<40x128xf32, #tpu.memory_space<hbm>>
    %dma_start3A_14 = arith.constant 0 : i32
    %dma_start3A_15 = tpu.memref_slice %arg2[%add3A_11, %dma_start3A_14] : memref<320000x128xf32, #tpu.memory_space<hbm>> -> memref<40x128xf32, #tpu.memory_space<hbm>>
    tpu.enqueue_dma source(%dma_start3A_15 : memref<40x128xf32, #tpu.memory_space<hbm>>) target(%arg7 : memref<40x128xf32, #tpu.memory_space<vmem>>) target_semaphore(%arg26 : memref<!tpu.dma_semaphore, #tpu.memory_space<semaphore_mem>>)
    %dma_start3A_16 = tpu.memref_slice %arg3[%add3A_11] : memref<320000xi32, #tpu.memory_space<hbm>> -> memref<40xi32, #tpu.memory_space<hbm>>
    %dma_start3A_17 = tpu.memref_slice %arg3[%add3A_11] : memref<320000xi32, #tpu.memory_space<hbm>> -> memref<40xi32, #tpu.memory_space<hbm>>
    tpu.enqueue_dma source(%dma_start3A_17 : memref<40xi32, #tpu.memory_space<hbm>>) target(%arg13 : memref<40xi32, #tpu.memory_space<vmem>>) target_semaphore(%arg26 : memref<!tpu.dma_semaphore, #tpu.memory_space<semaphore_mem>>)
    %add3A_18 = arith.constant 80 : i32
    %add3A_19 = arith.addi %mul3A_2, %add3A_18 : i32
    %dma_start3A_20 = arith.constant 0 : i32
    %dma_start3A_21 = tpu.memref_slice %arg2[%add3A_19, %dma_start3A_20] : memref<320000x128xf32, #tpu.memory_space<hbm>> -> memref<40x128xf32, #tpu.memory_space<hbm>>
    %dma_start3A_22 = arith.constant 0 : i32
    %dma_start3A_23 = tpu.memref_slice %arg2[%add3A_19, %dma_start3A_22] : memref<320000x128xf32, #tpu.memory_space<hbm>> -> memref<40x128xf32, #tpu.memory_space<hbm>>
    tpu.enqueue_dma source(%dma_start3A_23 : memref<40x128xf32, #tpu.memory_space<hbm>>) target(%arg8 : memref<40x128xf32, #tpu.memory_space<vmem>>) target_semaphore(%arg27 : memref<!tpu.dma_semaphore, #tpu.memory_space<semaphore_mem>>)
    %dma_start3A_24 = tpu.memref_slice %arg3[%add3A_19] : memref<320000xi32, #tpu.memory_space<hbm>> -> memref<40xi32, #tpu.memory_space<hbm>>
    %dma_start3A_25 = tpu.memref_slice %arg3[%add3A_19] : memref<320000xi32, #tpu.memory_space<hbm>> -> memref<40xi32, #tpu.memory_space<hbm>>
    tpu.enqueue_dma source(%dma_start3A_25 : memref<40xi32, #tpu.memory_space<hbm>>) target(%arg14 : memref<40xi32, #tpu.memory_space<vmem>>) target_semaphore(%arg27 : memref<!tpu.dma_semaphore, #tpu.memory_space<semaphore_mem>>)
    %add3A_26 = arith.constant 120 : i32
    %add3A_27 = arith.addi %mul3A_2, %add3A_26 : i32
    %dma_start3A_28 = arith.constant 0 : i32
    %dma_start3A_29 = tpu.memref_slice %arg2[%add3A_27, %dma_start3A_28] : memref<320000x128xf32, #tpu.memory_space<hbm>> -> memref<40x128xf32, #tpu.memory_space<hbm>>
    %dma_start3A_30 = arith.constant 0 : i32
    %dma_start3A_31 = tpu.memref_slice %arg2[%add3A_27, %dma_start3A_30] : memref<320000x128xf32, #tpu.memory_space<hbm>> -> memref<40x128xf32, #tpu.memory_space<hbm>>
    tpu.enqueue_dma source(%dma_start3A_31 : memref<40x128xf32, #tpu.memory_space<hbm>>) target(%arg9 : memref<40x128xf32, #tpu.memory_space<vmem>>) target_semaphore(%arg28 : memref<!tpu.dma_semaphore, #tpu.memory_space<semaphore_mem>>)
    %dma_start3A_32 = tpu.memref_slice %arg3[%add3A_27] : memref<320000xi32, #tpu.memory_space<hbm>> -> memref<40xi32, #tpu.memory_space<hbm>>
    %dma_start3A_33 = tpu.memref_slice %arg3[%add3A_27] : memref<320000xi32, #tpu.memory_space<hbm>> -> memref<40xi32, #tpu.memory_space<hbm>>
    tpu.enqueue_dma source(%dma_start3A_33 : memref<40xi32, #tpu.memory_space<hbm>>) target(%arg15 : memref<40xi32, #tpu.memory_space<vmem>>) target_semaphore(%arg28 : memref<!tpu.dma_semaphore, #tpu.memory_space<semaphore_mem>>)
    %add3A_34 = arith.constant 160 : i32
    %add3A_35 = arith.addi %mul3A_2, %add3A_34 : i32
    %dma_start3A_36 = arith.constant 0 : i32
    %dma_start3A_37 = tpu.memref_slice %arg2[%add3A_35, %dma_start3A_36] : memref<320000x128xf32, #tpu.memory_space<hbm>> -> memref<40x128xf32, #tpu.memory_space<hbm>>
    %dma_start3A_38 = arith.constant 0 : i32
    %dma_start3A_39 = tpu.memref_slice %arg2[%add3A_35, %dma_start3A_38] : memref<320000x128xf32, #tpu.memory_space<hbm>> -> memref<40x128xf32, #tpu.memory_space<hbm>>
    tpu.enqueue_dma source(%dma_start3A_39 : memref<40x128xf32, #tpu.memory_space<hbm>>) target(%arg10 : memref<40x128xf32, #tpu.memory_space<vmem>>) target_semaphore(%arg29 : memref<!tpu.dma_semaphore, #tpu.memory_space<semaphore_mem>>)
    %dma_start3A_40 = tpu.memref_slice %arg3[%add3A_35] : memref<320000xi32, #tpu.memory_space<hbm>> -> memref<40xi32, #tpu.memory_space<hbm>>
    %dma_start3A_41 = tpu.memref_slice %arg3[%add3A_35] : memref<320000xi32, #tpu.memory_space<hbm>> -> memref<40xi32, #tpu.memory_space<hbm>>
    tpu.enqueue_dma source(%dma_start3A_41 : memref<40xi32, #tpu.memory_space<hbm>>) target(%arg16 : memref<40xi32, #tpu.memory_space<vmem>>) target_semaphore(%arg29 : memref<!tpu.dma_semaphore, #tpu.memory_space<semaphore_mem>>)
    %add3A_42 = arith.constant 200 : i32
    %add3A_43 = arith.addi %mul3A_2, %add3A_42 : i32
    %dma_start3A_44 = arith.constant 0 : i32
    %dma_start3A_45 = tpu.memref_slice %arg2[%add3A_43, %dma_start3A_44] : memref<320000x128xf32, #tpu.memory_space<hbm>> -> memref<40x128xf32, #tpu.memory_space<hbm>>
    %dma_start3A_46 = arith.constant 0 : i32
    %dma_start3A_47 = tpu.memref_slice %arg2[%add3A_43, %dma_start3A_46] : memref<320000x128xf32, #tpu.memory_space<hbm>> -> memref<40x128xf32, #tpu.memory_space<hbm>>
    tpu.enqueue_dma source(%dma_start3A_47 : memref<40x128xf32, #tpu.memory_space<hbm>>) target(%arg11 : memref<40x128xf32, #tpu.memory_space<vmem>>) target_semaphore(%arg30 : memref<!tpu.dma_semaphore, #tpu.memory_space<semaphore_mem>>)
    %dma_start3A_48 = tpu.memref_slice %arg3[%add3A_43] : memref<320000xi32, #tpu.memory_space<hbm>> -> memref<40xi32, #tpu.memory_space<hbm>>
    %dma_start3A_49 = tpu.memref_slice %arg3[%add3A_43] : memref<320000xi32, #tpu.memory_space<hbm>> -> memref<40xi32, #tpu.memory_space<hbm>>
    tpu.enqueue_dma source(%dma_start3A_49 : memref<40xi32, #tpu.memory_space<hbm>>) target(%arg17 : memref<40xi32, #tpu.memory_space<vmem>>) target_semaphore(%arg30 : memref<!tpu.dma_semaphore, #tpu.memory_space<semaphore_mem>>)
    %mul3A_50 = arith.constant 64 : i32
    %mul3A_51 = arith.muli %arg1, %mul3A_50 : i32
    "tpu.region"() ({
      %run_scoped3A = tpu.sem_alloc : memref<!tpu.dma_semaphore, #tpu.memory_space<semaphore_mem>>
      %dma_start3A_200 = arith.constant 0 : i32
      %dma_start3A_201 = tpu.memref_slice %arg24[%mul3A_51, %dma_start3A_200] : memref<1024x128xf32, #tpu.memory_space<vmem_shared>> -> memref<64x128xf32, #tpu.memory_space<vmem_shared>>
      tpu.enqueue_dma source(%arg4 : memref<64x128xf32, #tpu.memory_space<hbm>>) target(%dma_start3A_201 : memref<64x128xf32, #tpu.memory_space<vmem_shared>>) target_semaphore(%run_scoped3A : memref<!tpu.dma_semaphore, #tpu.memory_space<semaphore_mem>>)
      %dma_wait3A_202 = arith.constant 0 : i32
      %dma_wait3A_203 = tpu.memref_slice %arg24[%mul3A_51, %dma_wait3A_202] : memref<1024x128xf32, #tpu.memory_space<vmem_shared>> -> memref<64x128xf32, #tpu.memory_space<vmem_shared>>
      tpu.wait_dma2 semaphore(%run_scoped3A : memref<!tpu.dma_semaphore, #tpu.memory_space<semaphore_mem>>) src(%arg4 : memref<64x128xf32, #tpu.memory_space<hbm>>) dst(%dma_wait3A_203 : memref<64x128xf32, #tpu.memory_space<vmem_shared>>)
      tpu.yield
    }) : () -> ()
    %barrier3A = arith.constant 0 : index
    tpu.barrier barrier_id(%barrier3A)
    %scan3A = arith.constant 0 : i32
    %scan3A_52 = arith.constant 0 : i32
    %scan3A_53 = arith.constant 41 : i32
    %scan3A_54 = arith.addi %scan3A_52, %scan3A_53 : i32
    %scan3A_55 = arith.constant 1 : i32
    scf.for %scan3A_200 = %scan3A_52 to %scan3A_54 step %scan3A_55  : i32 {
      %mul3A_201 = arith.constant 6 : i32
      %mul3A_202 = arith.muli %scan3A_200, %mul3A_201 : i32
      %add3A_203 = arith.constant 0 : i32
      %add3A_204 = arith.addi %mul3A_202, %add3A_203 : i32
      %dma_wait3A_205 = arith.constant 0 : i32
      %dma_wait3A_206 = tpu.memref_slice %arg2[%mul3A_2, %dma_wait3A_205] : memref<320000x128xf32, #tpu.memory_space<hbm>> -> memref<40x128xf32, #tpu.memory_space<hbm>>
      %dma_wait3A_207 = arith.constant 0 : i32
      %dma_wait3A_208 = tpu.memref_slice %arg2[%mul3A_2, %dma_wait3A_207] : memref<320000x128xf32, #tpu.memory_space<hbm>> -> memref<40x128xf32, #tpu.memory_space<hbm>>
      tpu.wait_dma2 semaphore(%arg25 : memref<!tpu.dma_semaphore, #tpu.memory_space<semaphore_mem>>) src(%dma_wait3A_208 : memref<40x128xf32, #tpu.memory_space<hbm>>) dst(%arg6 : memref<40x128xf32, #tpu.memory_space<vmem>>)
      %dma_wait3A_209 = tpu.memref_slice %arg3[%mul3A_2] : memref<320000xi32, #tpu.memory_space<hbm>> -> memref<40xi32, #tpu.memory_space<hbm>>
      %dma_wait3A_210 = tpu.memref_slice %arg3[%mul3A_2] : memref<320000xi32, #tpu.memory_space<hbm>> -> memref<40xi32, #tpu.memory_space<hbm>>
      tpu.wait_dma2 semaphore(%arg25 : memref<!tpu.dma_semaphore, #tpu.memory_space<semaphore_mem>>) src(%dma_wait3A_210 : memref<40xi32, #tpu.memory_space<hbm>>) dst(%arg12 : memref<40xi32, #tpu.memory_space<vmem>>)
      %get3A_211 = arith.constant 0 : index
      %get3A_212 = tpu.vector_load %arg12[%get3A_211] {strides = array<i32>} : memref<40xi32, #tpu.memory_space<vmem>>, vector<16xi32>,
      %get3A_213 = vector.shape_cast %get3A_212 : vector<16xi32> to vector<16xi32>
      %swap3A_214 = arith.constant 0 : index
      %swap3A_215 = tpu.vector_load %arg18[%swap3A_214] {strides = array<i32>} : memref<40xi32, #tpu.memory_space<vmem>>, vector<16xi32>,
      %swap3A_216 = vector.shape_cast %swap3A_215 : vector<16xi32> to vector<16xi32>
      %swap3A_217 = vector.shape_cast %get3A_213 : vector<16xi32> to vector<16xi32>
      tpu.vector_store %arg18[%swap3A_214], %swap3A_217 {strides = array<i32>} : memref<40xi32, #tpu.memory_space<vmem>>, vector<16xi32>,
      %get3A_218 = arith.constant 16 : index
      %get3A_219 = tpu.vector_load %arg12[%get3A_218] {strides = array<i32>} : memref<40xi32, #tpu.memory_space<vmem>>, vector<16xi32>,
      %get3A_220 = vector.shape_cast %get3A_219 : vector<16xi32> to vector<16xi32>
      %swap3A_221 = arith.constant 16 : index
      %swap3A_222 = tpu.vector_load %arg18[%swap3A_221] {strides = array<i32>} : memref<40xi32, #tpu.memory_space<vmem>>, vector<16xi32>,
      %swap3A_223 = vector.shape_cast %swap3A_222 : vector<16xi32> to vector<16xi32>
      %swap3A_224 = vector.shape_cast %get3A_220 : vector<16xi32> to vector<16xi32>
      tpu.vector_store %arg18[%swap3A_221], %swap3A_224 {strides = array<i32>} : memref<40xi32, #tpu.memory_space<vmem>>, vector<16xi32>,
      %dma_start3A_225 = arith.constant 0 : i32
      %dma_start3A_226 = arith.constant 0 : i32
      %dma_start3A_227 = tpu.memref_slice %arg6[%dma_start3A_225, %dma_start3A_226] : memref<40x128xf32, #tpu.memory_space<vmem>> -> memref<40x128xf32, #tpu.memory_space<vmem>>
      %dma_start3A_228 = arith.constant 0 : i32
      %dma_start3A_229 = arith.constant 0 : i32
      %dma_start3A_230 = tpu.memref_slice %arg24[%dma_start3A_228, %dma_start3A_229] : memref<1024x128xf32, #tpu.memory_space<vmem_shared>> -> memref<1024x128xf32, #tpu.memory_space<vmem_shared>>
      tpu.enqueue_indirect_dma source(%dma_start3A_227 : memref<40x128xf32, #tpu.memory_space<vmem>>) target(%dma_start3A_230 : memref<1024x128xf32, #tpu.memory_space<vmem_shared>>) offsets(%arg18 : memref<40xi32, #tpu.memory_space<vmem>>) semaphore(%arg31 : memref<!tpu.dma_semaphore, #tpu.memory_space<semaphore_mem>>) {add = true}
      %add3A_231 = arith.constant 6 : i32
      %add3A_232 = arith.addi %add3A_204, %add3A_231 : i32
      %lt3A = arith.constant 250 : i32
      %lt3A_233 = arith.cmpi slt, %add3A_232, %lt3A : i32
      %convert_element_type3A = arith.extui %lt3A_233 : i1 to i32
      %cond3A = arith.constant 0 : i32
      %cond3A_234 = arith.cmpi ne, %convert_element_type3A, %cond3A : i32
      scf.if %cond3A_234 {
        %dma_wait3A_420 = arith.constant 0 : i32
        %dma_wait3A_421 = arith.constant 0 : i32
        %dma_wait3A_422 = tpu.memref_slice %arg6[%dma_wait3A_420, %dma_wait3A_421] : memref<40x128xf32, #tpu.memory_space<vmem>> -> memref<40x128xf32, #tpu.memory_space<vmem>>
        %dma_wait3A_423 = arith.constant 0 : i32
        %dma_wait3A_424 = arith.constant 0 : i32
        %dma_wait3A_425 = tpu.memref_slice %arg24[%dma_wait3A_423, %dma_wait3A_424] : memref<1024x128xf32, #tpu.memory_space<vmem_shared>> -> memref<1024x128xf32, #tpu.memory_space<vmem_shared>>
        tpu.wait_indirect_dma semaphore(%arg31 : memref<!tpu.dma_semaphore, #tpu.memory_space<semaphore_mem>>) src(%dma_wait3A_422 : memref<40x128xf32, #tpu.memory_space<vmem>>) dst(%dma_wait3A_425 : memref<1024x128xf32, #tpu.memory_space<vmem_shared>>)
        %add3A_426 = arith.constant 6 : i32
        %add3A_427 = arith.addi %add3A_204, %add3A_426 : i32
        %mul3A_428 = arith.constant 40 : i32
        %mul3A_429 = arith.muli %add3A_427, %mul3A_428 : i32
        %add3A_430 = arith.addi %mul3A_2, %mul3A_429 : i32
        %dma_start3A_431 = arith.constant 0 : i32
        %dma_start3A_432 = tpu.memref_slice %arg2[%add3A_430, %dma_start3A_431] : memref<320000x128xf32, #tpu.memory_space<hbm>> -> memref<40x128xf32, #tpu.memory_space<hbm>>
        %dma_start3A_433 = arith.constant 0 : i32
        %dma_start3A_434 = tpu.memref_slice %arg2[%add3A_430, %dma_start3A_433] : memref<320000x128xf32, #tpu.memory_space<hbm>> -> memref<40x128xf32, #tpu.memory_space<hbm>>
        tpu.enqueue_dma source(%dma_start3A_434 : memref<40x128xf32, #tpu.memory_space<hbm>>) target(%arg6 : memref<40x128xf32, #tpu.memory_space<vmem>>) target_semaphore(%arg25 : memref<!tpu.dma_semaphore, #tpu.memory_space<semaphore_mem>>)
        %dma_start3A_435 = tpu.memref_slice %arg3[%add3A_430] : memref<320000xi32, #tpu.memory_space<hbm>> -> memref<40xi32, #tpu.memory_space<hbm>>
        %dma_start3A_436 = tpu.memref_slice %arg3[%add3A_430] : memref<320000xi32, #tpu.memory_space<hbm>> -> memref<40xi32, #tpu.memory_space<hbm>>
        tpu.enqueue_dma source(%dma_start3A_436 : memref<40xi32, #tpu.memory_space<hbm>>) target(%arg12 : memref<40xi32, #tpu.memory_space<vmem>>) target_semaphore(%arg25 : memref<!tpu.dma_semaphore, #tpu.memory_space<semaphore_mem>>)
      } else {
      }
      %mul3A_235 = arith.constant 6 : i32
      %mul3A_236 = arith.muli %scan3A_200, %mul3A_235 : i32
      %add3A_237 = arith.constant 1 : i32
      %add3A_238 = arith.addi %mul3A_236, %add3A_237 : i32
      %dma_wait3A_239 = arith.constant 0 : i32
      %dma_wait3A_240 = tpu.memref_slice %arg2[%mul3A_2, %dma_wait3A_239] : memref<320000x128xf32, #tpu.memory_space<hbm>> -> memref<40x128xf32, #tpu.memory_space<hbm>>
      %dma_wait3A_241 = arith.constant 0 : i32
      %dma_wait3A_242 = tpu.memref_slice %arg2[%mul3A_2, %dma_wait3A_241] : memref<320000x128xf32, #tpu.memory_space<hbm>> -> memref<40x128xf32, #tpu.memory_space<hbm>>
      tpu.wait_dma2 semaphore(%arg26 : memref<!tpu.dma_semaphore, #tpu.memory_space<semaphore_mem>>) src(%dma_wait3A_242 : memref<40x128xf32, #tpu.memory_space<hbm>>) dst(%arg7 : memref<40x128xf32, #tpu.memory_space<vmem>>)
      %dma_wait3A_243 = tpu.memref_slice %arg3[%mul3A_2] : memref<320000xi32, #tpu.memory_space<hbm>> -> memref<40xi32, #tpu.memory_space<hbm>>
      %dma_wait3A_244 = tpu.memref_slice %arg3[%mul3A_2] : memref<320000xi32, #tpu.memory_space<hbm>> -> memref<40xi32, #tpu.memory_space<hbm>>
      tpu.wait_dma2 semaphore(%arg26 : memref<!tpu.dma_semaphore, #tpu.memory_space<semaphore_mem>>) src(%dma_wait3A_244 : memref<40xi32, #tpu.memory_space<hbm>>) dst(%arg13 : memref<40xi32, #tpu.memory_space<vmem>>)
      %get3A_245 = arith.constant 0 : index
      %get3A_246 = tpu.vector_load %arg13[%get3A_245] {strides = array<i32>} : memref<40xi32, #tpu.memory_space<vmem>>, vector<16xi32>,
      %get3A_247 = vector.shape_cast %get3A_246 : vector<16xi32> to vector<16xi32>
      %swap3A_248 = arith.constant 0 : index
      %swap3A_249 = tpu.vector_load %arg19[%swap3A_248] {strides = array<i32>} : memref<40xi32, #tpu.memory_space<vmem>>, vector<16xi32>,
      %swap3A_250 = vector.shape_cast %swap3A_249 : vector<16xi32> to vector<16xi32>
      %swap3A_251 = vector.shape_cast %get3A_247 : vector<16xi32> to vector<16xi32>
      tpu.vector_store %arg19[%swap3A_248], %swap3A_251 {strides = array<i32>} : memref<40xi32, #tpu.memory_space<vmem>>, vector<16xi32>,
      %get3A_252 = arith.constant 16 : index
      %get3A_253 = tpu.vector_load %arg13[%get3A_252] {strides = array<i32>} : memref<40xi32, #tpu.memory_space<vmem>>, vector<16xi32>,
      %get3A_254 = vector.shape_cast %get3A_253 : vector<16xi32> to vector<16xi32>
      %swap3A_255 = arith.constant 16 : index
      %swap3A_256 = tpu.vector_load %arg19[%swap3A_255] {strides = array<i32>} : memref<40xi32, #tpu.memory_space<vmem>>, vector<16xi32>,
      %swap3A_257 = vector.shape_cast %swap3A_256 : vector<16xi32> to vector<16xi32>
      %swap3A_258 = vector.shape_cast %get3A_254 : vector<16xi32> to vector<16xi32>
      tpu.vector_store %arg19[%swap3A_255], %swap3A_258 {strides = array<i32>} : memref<40xi32, #tpu.memory_space<vmem>>, vector<16xi32>,
      %dma_start3A_259 = arith.constant 0 : i32
      %dma_start3A_260 = arith.constant 0 : i32
      %dma_start3A_261 = tpu.memref_slice %arg7[%dma_start3A_259, %dma_start3A_260] : memref<40x128xf32, #tpu.memory_space<vmem>> -> memref<40x128xf32, #tpu.memory_space<vmem>>
      %dma_start3A_262 = arith.constant 0 : i32
      %dma_start3A_263 = arith.constant 0 : i32
      %dma_start3A_264 = tpu.memref_slice %arg24[%dma_start3A_262, %dma_start3A_263] : memref<1024x128xf32, #tpu.memory_space<vmem_shared>> -> memref<1024x128xf32, #tpu.memory_space<vmem_shared>>
      tpu.enqueue_indirect_dma source(%dma_start3A_261 : memref<40x128xf32, #tpu.memory_space<vmem>>) target(%dma_start3A_264 : memref<1024x128xf32, #tpu.memory_space<vmem_shared>>) offsets(%arg19 : memref<40xi32, #tpu.memory_space<vmem>>) semaphore(%arg32 : memref<!tpu.dma_semaphore, #tpu.memory_space<semaphore_mem>>) {add = true}
      %add3A_265 = arith.constant 6 : i32
      %add3A_266 = arith.addi %add3A_238, %add3A_265 : i32
      %lt3A_267 = arith.constant 250 : i32
      %lt3A_268 = arith.cmpi slt, %add3A_266, %lt3A_267 : i32
      %convert_element_type3A_269 = arith.extui %lt3A_268 : i1 to i32
      %cond3A_270 = arith.constant 0 : i32
      %cond3A_271 = arith.cmpi ne, %convert_element_type3A_269, %cond3A_270 : i32
      scf.if %cond3A_271 {
        %dma_wait3A_420 = arith.constant 0 : i32
        %dma_wait3A_421 = arith.constant 0 : i32
        %dma_wait3A_422 = tpu.memref_slice %arg7[%dma_wait3A_420, %dma_wait3A_421] : memref<40x128xf32, #tpu.memory_space<vmem>> -> memref<40x128xf32, #tpu.memory_space<vmem>>
        %dma_wait3A_423 = arith.constant 0 : i32
        %dma_wait3A_424 = arith.constant 0 : i32
        %dma_wait3A_425 = tpu.memref_slice %arg24[%dma_wait3A_423, %dma_wait3A_424] : memref<1024x128xf32, #tpu.memory_space<vmem_shared>> -> memref<1024x128xf32, #tpu.memory_space<vmem_shared>>
        tpu.wait_indirect_dma semaphore(%arg32 : memref<!tpu.dma_semaphore, #tpu.memory_space<semaphore_mem>>) src(%dma_wait3A_422 : memref<40x128xf32, #tpu.memory_space<vmem>>) dst(%dma_wait3A_425 : memref<1024x128xf32, #tpu.memory_space<vmem_shared>>)
        %add3A_426 = arith.constant 6 : i32
        %add3A_427 = arith.addi %add3A_238, %add3A_426 : i32
        %mul3A_428 = arith.constant 40 : i32
        %mul3A_429 = arith.muli %add3A_427, %mul3A_428 : i32
        %add3A_430 = arith.addi %mul3A_2, %mul3A_429 : i32
        %dma_start3A_431 = arith.constant 0 : i32
        %dma_start3A_432 = tpu.memref_slice %arg2[%add3A_430, %dma_start3A_431] : memref<320000x128xf32, #tpu.memory_space<hbm>> -> memref<40x128xf32, #tpu.memory_space<hbm>>
        %dma_start3A_433 = arith.constant 0 : i32
        %dma_start3A_434 = tpu.memref_slice %arg2[%add3A_430, %dma_start3A_433] : memref<320000x128xf32, #tpu.memory_space<hbm>> -> memref<40x128xf32, #tpu.memory_space<hbm>>
        tpu.enqueue_dma source(%dma_start3A_434 : memref<40x128xf32, #tpu.memory_space<hbm>>) target(%arg7 : memref<40x128xf32, #tpu.memory_space<vmem>>) target_semaphore(%arg26 : memref<!tpu.dma_semaphore, #tpu.memory_space<semaphore_mem>>)
        %dma_start3A_435 = tpu.memref_slice %arg3[%add3A_430] : memref<320000xi32, #tpu.memory_space<hbm>> -> memref<40xi32, #tpu.memory_space<hbm>>
        %dma_start3A_436 = tpu.memref_slice %arg3[%add3A_430] : memref<320000xi32, #tpu.memory_space<hbm>> -> memref<40xi32, #tpu.memory_space<hbm>>
        tpu.enqueue_dma source(%dma_start3A_436 : memref<40xi32, #tpu.memory_space<hbm>>) target(%arg13 : memref<40xi32, #tpu.memory_space<vmem>>) target_semaphore(%arg26 : memref<!tpu.dma_semaphore, #tpu.memory_space<semaphore_mem>>)
      } else {
      }
      %mul3A_272 = arith.constant 6 : i32
      %mul3A_273 = arith.muli %scan3A_200, %mul3A_272 : i32
      %add3A_274 = arith.constant 2 : i32
      %add3A_275 = arith.addi %mul3A_273, %add3A_274 : i32
      %dma_wait3A_276 = arith.constant 0 : i32
      %dma_wait3A_277 = tpu.memref_slice %arg2[%mul3A_2, %dma_wait3A_276] : memref<320000x128xf32, #tpu.memory_space<hbm>> -> memref<40x128xf32, #tpu.memory_space<hbm>>
      %dma_wait3A_278 = arith.constant 0 : i32
      %dma_wait3A_279 = tpu.memref_slice %arg2[%mul3A_2, %dma_wait3A_278] : memref<320000x128xf32, #tpu.memory_space<hbm>> -> memref<40x128xf32, #tpu.memory_space<hbm>>
      tpu.wait_dma2 semaphore(%arg27 : memref<!tpu.dma_semaphore, #tpu.memory_space<semaphore_mem>>) src(%dma_wait3A_279 : memref<40x128xf32, #tpu.memory_space<hbm>>) dst(%arg8 : memref<40x128xf32, #tpu.memory_space<vmem>>)
      %dma_wait3A_280 = tpu.memref_slice %arg3[%mul3A_2] : memref<320000xi32, #tpu.memory_space<hbm>> -> memref<40xi32, #tpu.memory_space<hbm>>
      %dma_wait3A_281 = tpu.memref_slice %arg3[%mul3A_2] : memref<320000xi32, #tpu.memory_space<hbm>> -> memref<40xi32, #tpu.memory_space<hbm>>
      tpu.wait_dma2 semaphore(%arg27 : memref<!tpu.dma_semaphore, #tpu.memory_space<semaphore_mem>>) src(%dma_wait3A_281 : memref<40xi32, #tpu.memory_space<hbm>>) dst(%arg14 : memref<40xi32, #tpu.memory_space<vmem>>)
      %get3A_282 = arith.constant 0 : index
      %get3A_283 = tpu.vector_load %arg14[%get3A_282] {strides = array<i32>} : memref<40xi32, #tpu.memory_space<vmem>>, vector<16xi32>,
      %get3A_284 = vector.shape_cast %get3A_283 : vector<16xi32> to vector<16xi32>
      %swap3A_285 = arith.constant 0 : index
      %swap3A_286 = tpu.vector_load %arg20[%swap3A_285] {strides = array<i32>} : memref<40xi32, #tpu.memory_space<vmem>>, vector<16xi32>,
      %swap3A_287 = vector.shape_cast %swap3A_286 : vector<16xi32> to vector<16xi32>
      %swap3A_288 = vector.shape_cast %get3A_284 : vector<16xi32> to vector<16xi32>
      tpu.vector_store %arg20[%swap3A_285], %swap3A_288 {strides = array<i32>} : memref<40xi32, #tpu.memory_space<vmem>>, vector<16xi32>,
      %get3A_289 = arith.constant 16 : index
      %get3A_290 = tpu.vector_load %arg14[%get3A_289] {strides = array<i32>} : memref<40xi32, #tpu.memory_space<vmem>>, vector<16xi32>,
      %get3A_291 = vector.shape_cast %get3A_290 : vector<16xi32> to vector<16xi32>
      %swap3A_292 = arith.constant 16 : index
      %swap3A_293 = tpu.vector_load %arg20[%swap3A_292] {strides = array<i32>} : memref<40xi32, #tpu.memory_space<vmem>>, vector<16xi32>,
      %swap3A_294 = vector.shape_cast %swap3A_293 : vector<16xi32> to vector<16xi32>
      %swap3A_295 = vector.shape_cast %get3A_291 : vector<16xi32> to vector<16xi32>
      tpu.vector_store %arg20[%swap3A_292], %swap3A_295 {strides = array<i32>} : memref<40xi32, #tpu.memory_space<vmem>>, vector<16xi32>,
      %dma_start3A_296 = arith.constant 0 : i32
      %dma_start3A_297 = arith.constant 0 : i32
      %dma_start3A_298 = tpu.memref_slice %arg8[%dma_start3A_296, %dma_start3A_297] : memref<40x128xf32, #tpu.memory_space<vmem>> -> memref<40x128xf32, #tpu.memory_space<vmem>>
      %dma_start3A_299 = arith.constant 0 : i32
      %dma_start3A_300 = arith.constant 0 : i32
      %dma_start3A_301 = tpu.memref_slice %arg24[%dma_start3A_299, %dma_start3A_300] : memref<1024x128xf32, #tpu.memory_space<vmem_shared>> -> memref<1024x128xf32, #tpu.memory_space<vmem_shared>>
      tpu.enqueue_indirect_dma source(%dma_start3A_298 : memref<40x128xf32, #tpu.memory_space<vmem>>) target(%dma_start3A_301 : memref<1024x128xf32, #tpu.memory_space<vmem_shared>>) offsets(%arg20 : memref<40xi32, #tpu.memory_space<vmem>>) semaphore(%arg33 : memref<!tpu.dma_semaphore, #tpu.memory_space<semaphore_mem>>) {add = true}
      %add3A_302 = arith.constant 6 : i32
      %add3A_303 = arith.addi %add3A_275, %add3A_302 : i32
      %lt3A_304 = arith.constant 250 : i32
      %lt3A_305 = arith.cmpi slt, %add3A_303, %lt3A_304 : i32
      %convert_element_type3A_306 = arith.extui %lt3A_305 : i1 to i32
      %cond3A_307 = arith.constant 0 : i32
      %cond3A_308 = arith.cmpi ne, %convert_element_type3A_306, %cond3A_307 : i32
      scf.if %cond3A_308 {
        %dma_wait3A_420 = arith.constant 0 : i32
        %dma_wait3A_421 = arith.constant 0 : i32
        %dma_wait3A_422 = tpu.memref_slice %arg8[%dma_wait3A_420, %dma_wait3A_421] : memref<40x128xf32, #tpu.memory_space<vmem>> -> memref<40x128xf32, #tpu.memory_space<vmem>>
        %dma_wait3A_423 = arith.constant 0 : i32
        %dma_wait3A_424 = arith.constant 0 : i32
        %dma_wait3A_425 = tpu.memref_slice %arg24[%dma_wait3A_423, %dma_wait3A_424] : memref<1024x128xf32, #tpu.memory_space<vmem_shared>> -> memref<1024x128xf32, #tpu.memory_space<vmem_shared>>
        tpu.wait_indirect_dma semaphore(%arg33 : memref<!tpu.dma_semaphore, #tpu.memory_space<semaphore_mem>>) src(%dma_wait3A_422 : memref<40x128xf32, #tpu.memory_space<vmem>>) dst(%dma_wait3A_425 : memref<1024x128xf32, #tpu.memory_space<vmem_shared>>)
        %add3A_426 = arith.constant 6 : i32
        %add3A_427 = arith.addi %add3A_275, %add3A_426 : i32
        %mul3A_428 = arith.constant 40 : i32
        %mul3A_429 = arith.muli %add3A_427, %mul3A_428 : i32
        %add3A_430 = arith.addi %mul3A_2, %mul3A_429 : i32
        %dma_start3A_431 = arith.constant 0 : i32
        %dma_start3A_432 = tpu.memref_slice %arg2[%add3A_430, %dma_start3A_431] : memref<320000x128xf32, #tpu.memory_space<hbm>> -> memref<40x128xf32, #tpu.memory_space<hbm>>
        %dma_start3A_433 = arith.constant 0 : i32
        %dma_start3A_434 = tpu.memref_slice %arg2[%add3A_430, %dma_start3A_433] : memref<320000x128xf32, #tpu.memory_space<hbm>> -> memref<40x128xf32, #tpu.memory_space<hbm>>
        tpu.enqueue_dma source(%dma_start3A_434 : memref<40x128xf32, #tpu.memory_space<hbm>>) target(%arg8 : memref<40x128xf32, #tpu.memory_space<vmem>>) target_semaphore(%arg27 : memref<!tpu.dma_semaphore, #tpu.memory_space<semaphore_mem>>)
        %dma_start3A_435 = tpu.memref_slice %arg3[%add3A_430] : memref<320000xi32, #tpu.memory_space<hbm>> -> memref<40xi32, #tpu.memory_space<hbm>>
        %dma_start3A_436 = tpu.memref_slice %arg3[%add3A_430] : memref<320000xi32, #tpu.memory_space<hbm>> -> memref<40xi32, #tpu.memory_space<hbm>>
        tpu.enqueue_dma source(%dma_start3A_436 : memref<40xi32, #tpu.memory_space<hbm>>) target(%arg14 : memref<40xi32, #tpu.memory_space<vmem>>) target_semaphore(%arg27 : memref<!tpu.dma_semaphore, #tpu.memory_space<semaphore_mem>>)
      } else {
      }
      %mul3A_309 = arith.constant 6 : i32
      %mul3A_310 = arith.muli %scan3A_200, %mul3A_309 : i32
      %add3A_311 = arith.constant 3 : i32
      %add3A_312 = arith.addi %mul3A_310, %add3A_311 : i32
      %dma_wait3A_313 = arith.constant 0 : i32
      %dma_wait3A_314 = tpu.memref_slice %arg2[%mul3A_2, %dma_wait3A_313] : memref<320000x128xf32, #tpu.memory_space<hbm>> -> memref<40x128xf32, #tpu.memory_space<hbm>>
      %dma_wait3A_315 = arith.constant 0 : i32
      %dma_wait3A_316 = tpu.memref_slice %arg2[%mul3A_2, %dma_wait3A_315] : memref<320000x128xf32, #tpu.memory_space<hbm>> -> memref<40x128xf32, #tpu.memory_space<hbm>>
      tpu.wait_dma2 semaphore(%arg28 : memref<!tpu.dma_semaphore, #tpu.memory_space<semaphore_mem>>) src(%dma_wait3A_316 : memref<40x128xf32, #tpu.memory_space<hbm>>) dst(%arg9 : memref<40x128xf32, #tpu.memory_space<vmem>>)
      %dma_wait3A_317 = tpu.memref_slice %arg3[%mul3A_2] : memref<320000xi32, #tpu.memory_space<hbm>> -> memref<40xi32, #tpu.memory_space<hbm>>
      %dma_wait3A_318 = tpu.memref_slice %arg3[%mul3A_2] : memref<320000xi32, #tpu.memory_space<hbm>> -> memref<40xi32, #tpu.memory_space<hbm>>
      tpu.wait_dma2 semaphore(%arg28 : memref<!tpu.dma_semaphore, #tpu.memory_space<semaphore_mem>>) src(%dma_wait3A_318 : memref<40xi32, #tpu.memory_space<hbm>>) dst(%arg15 : memref<40xi32, #tpu.memory_space<vmem>>)
      %get3A_319 = arith.constant 0 : index
      %get3A_320 = tpu.vector_load %arg15[%get3A_319] {strides = array<i32>} : memref<40xi32, #tpu.memory_space<vmem>>, vector<16xi32>,
      %get3A_321 = vector.shape_cast %get3A_320 : vector<16xi32> to vector<16xi32>
      %swap3A_322 = arith.constant 0 : index
      %swap3A_323 = tpu.vector_load %arg21[%swap3A_322] {strides = array<i32>} : memref<40xi32, #tpu.memory_space<vmem>>, vector<16xi32>,
      %swap3A_324 = vector.shape_cast %swap3A_323 : vector<16xi32> to vector<16xi32>
      %swap3A_325 = vector.shape_cast %get3A_321 : vector<16xi32> to vector<16xi32>
      tpu.vector_store %arg21[%swap3A_322], %swap3A_325 {strides = array<i32>} : memref<40xi32, #tpu.memory_space<vmem>>, vector<16xi32>,
      %get3A_326 = arith.constant 16 : index
      %get3A_327 = tpu.vector_load %arg15[%get3A_326] {strides = array<i32>} : memref<40xi32, #tpu.memory_space<vmem>>, vector<16xi32>,
      %get3A_328 = vector.shape_cast %get3A_327 : vector<16xi32> to vector<16xi32>
      %swap3A_329 = arith.constant 16 : index
      %swap3A_330 = tpu.vector_load %arg21[%swap3A_329] {strides = array<i32>} : memref<40xi32, #tpu.memory_space<vmem>>, vector<16xi32>,
      %swap3A_331 = vector.shape_cast %swap3A_330 : vector<16xi32> to vector<16xi32>
      %swap3A_332 = vector.shape_cast %get3A_328 : vector<16xi32> to vector<16xi32>
      tpu.vector_store %arg21[%swap3A_329], %swap3A_332 {strides = array<i32>} : memref<40xi32, #tpu.memory_space<vmem>>, vector<16xi32>,
      %dma_start3A_333 = arith.constant 0 : i32
      %dma_start3A_334 = arith.constant 0 : i32
      %dma_start3A_335 = tpu.memref_slice %arg9[%dma_start3A_333, %dma_start3A_334] : memref<40x128xf32, #tpu.memory_space<vmem>> -> memref<40x128xf32, #tpu.memory_space<vmem>>
      %dma_start3A_336 = arith.constant 0 : i32
      %dma_start3A_337 = arith.constant 0 : i32
      %dma_start3A_338 = tpu.memref_slice %arg24[%dma_start3A_336, %dma_start3A_337] : memref<1024x128xf32, #tpu.memory_space<vmem_shared>> -> memref<1024x128xf32, #tpu.memory_space<vmem_shared>>
      tpu.enqueue_indirect_dma source(%dma_start3A_335 : memref<40x128xf32, #tpu.memory_space<vmem>>) target(%dma_start3A_338 : memref<1024x128xf32, #tpu.memory_space<vmem_shared>>) offsets(%arg21 : memref<40xi32, #tpu.memory_space<vmem>>) semaphore(%arg34 : memref<!tpu.dma_semaphore, #tpu.memory_space<semaphore_mem>>) {add = true}
      %add3A_339 = arith.constant 6 : i32
      %add3A_340 = arith.addi %add3A_312, %add3A_339 : i32
      %lt3A_341 = arith.constant 250 : i32
      %lt3A_342 = arith.cmpi slt, %add3A_340, %lt3A_341 : i32
      %convert_element_type3A_343 = arith.extui %lt3A_342 : i1 to i32
      %cond3A_344 = arith.constant 0 : i32
      %cond3A_345 = arith.cmpi ne, %convert_element_type3A_343, %cond3A_344 : i32
      scf.if %cond3A_345 {
        %dma_wait3A_420 = arith.constant 0 : i32
        %dma_wait3A_421 = arith.constant 0 : i32
        %dma_wait3A_422 = tpu.memref_slice %arg9[%dma_wait3A_420, %dma_wait3A_421] : memref<40x128xf32, #tpu.memory_space<vmem>> -> memref<40x128xf32, #tpu.memory_space<vmem>>
        %dma_wait3A_423 = arith.constant 0 : i32
        %dma_wait3A_424 = arith.constant 0 : i32
        %dma_wait3A_425 = tpu.memref_slice %arg24[%dma_wait3A_423, %dma_wait3A_424] : memref<1024x128xf32, #tpu.memory_space<vmem_shared>> -> memref<1024x128xf32, #tpu.memory_space<vmem_shared>>
        tpu.wait_indirect_dma semaphore(%arg34 : memref<!tpu.dma_semaphore, #tpu.memory_space<semaphore_mem>>) src(%dma_wait3A_422 : memref<40x128xf32, #tpu.memory_space<vmem>>) dst(%dma_wait3A_425 : memref<1024x128xf32, #tpu.memory_space<vmem_shared>>)
        %add3A_426 = arith.constant 6 : i32
        %add3A_427 = arith.addi %add3A_312, %add3A_426 : i32
        %mul3A_428 = arith.constant 40 : i32
        %mul3A_429 = arith.muli %add3A_427, %mul3A_428 : i32
        %add3A_430 = arith.addi %mul3A_2, %mul3A_429 : i32
        %dma_start3A_431 = arith.constant 0 : i32
        %dma_start3A_432 = tpu.memref_slice %arg2[%add3A_430, %dma_start3A_431] : memref<320000x128xf32, #tpu.memory_space<hbm>> -> memref<40x128xf32, #tpu.memory_space<hbm>>
        %dma_start3A_433 = arith.constant 0 : i32
        %dma_start3A_434 = tpu.memref_slice %arg2[%add3A_430, %dma_start3A_433] : memref<320000x128xf32, #tpu.memory_space<hbm>> -> memref<40x128xf32, #tpu.memory_space<hbm>>
        tpu.enqueue_dma source(%dma_start3A_434 : memref<40x128xf32, #tpu.memory_space<hbm>>) target(%arg9 : memref<40x128xf32, #tpu.memory_space<vmem>>) target_semaphore(%arg28 : memref<!tpu.dma_semaphore, #tpu.memory_space<semaphore_mem>>)
        %dma_start3A_435 = tpu.memref_slice %arg3[%add3A_430] : memref<320000xi32, #tpu.memory_space<hbm>> -> memref<40xi32, #tpu.memory_space<hbm>>
        %dma_start3A_436 = tpu.memref_slice %arg3[%add3A_430] : memref<320000xi32, #tpu.memory_space<hbm>> -> memref<40xi32, #tpu.memory_space<hbm>>
        tpu.enqueue_dma source(%dma_start3A_436 : memref<40xi32, #tpu.memory_space<hbm>>) target(%arg15 : memref<40xi32, #tpu.memory_space<vmem>>) target_semaphore(%arg28 : memref<!tpu.dma_semaphore, #tpu.memory_space<semaphore_mem>>)
      } else {
      }
      %mul3A_346 = arith.constant 6 : i32
      %mul3A_347 = arith.muli %scan3A_200, %mul3A_346 : i32
      %add3A_348 = arith.constant 4 : i32
      %add3A_349 = arith.addi %mul3A_347, %add3A_348 : i32
      %dma_wait3A_350 = arith.constant 0 : i32
      %dma_wait3A_351 = tpu.memref_slice %arg2[%mul3A_2, %dma_wait3A_350] : memref<320000x128xf32, #tpu.memory_space<hbm>> -> memref<40x128xf32, #tpu.memory_space<hbm>>
      %dma_wait3A_352 = arith.constant 0 : i32
      %dma_wait3A_353 = tpu.memref_slice %arg2[%mul3A_2, %dma_wait3A_352] : memref<320000x128xf32, #tpu.memory_space<hbm>> -> memref<40x128xf32, #tpu.memory_space<hbm>>
      tpu.wait_dma2 semaphore(%arg29 : memref<!tpu.dma_semaphore, #tpu.memory_space<semaphore_mem>>) src(%dma_wait3A_353 : memref<40x128xf32, #tpu.memory_space<hbm>>) dst(%arg10 : memref<40x128xf32, #tpu.memory_space<vmem>>)
      %dma_wait3A_354 = tpu.memref_slice %arg3[%mul3A_2] : memref<320000xi32, #tpu.memory_space<hbm>> -> memref<40xi32, #tpu.memory_space<hbm>>
      %dma_wait3A_355 = tpu.memref_slice %arg3[%mul3A_2] : memref<320000xi32, #tpu.memory_space<hbm>> -> memref<40xi32, #tpu.memory_space<hbm>>
      tpu.wait_dma2 semaphore(%arg29 : memref<!tpu.dma_semaphore, #tpu.memory_space<semaphore_mem>>) src(%dma_wait3A_355 : memref<40xi32, #tpu.memory_space<hbm>>) dst(%arg16 : memref<40xi32, #tpu.memory_space<vmem>>)
      %get3A_356 = arith.constant 0 : index
      %get3A_357 = tpu.vector_load %arg16[%get3A_356] {strides = array<i32>} : memref<40xi32, #tpu.memory_space<vmem>>, vector<16xi32>,
      %get3A_358 = vector.shape_cast %get3A_357 : vector<16xi32> to vector<16xi32>
      %swap3A_359 = arith.constant 0 : index
      %swap3A_360 = tpu.vector_load %arg22[%swap3A_359] {strides = array<i32>} : memref<40xi32, #tpu.memory_space<vmem>>, vector<16xi32>,
      %swap3A_361 = vector.shape_cast %swap3A_360 : vector<16xi32> to vector<16xi32>
      %swap3A_362 = vector.shape_cast %get3A_358 : vector<16xi32> to vector<16xi32>
      tpu.vector_store %arg22[%swap3A_359], %swap3A_362 {strides = array<i32>} : memref<40xi32, #tpu.memory_space<vmem>>, vector<16xi32>,
      %get3A_363 = arith.constant 16 : index
      %get3A_364 = tpu.vector_load %arg16[%get3A_363] {strides = array<i32>} : memref<40xi32, #tpu.memory_space<vmem>>, vector<16xi32>,
      %get3A_365 = vector.shape_cast %get3A_364 : vector<16xi32> to vector<16xi32>
      %swap3A_366 = arith.constant 16 : index
      %swap3A_367 = tpu.vector_load %arg22[%swap3A_366] {strides = array<i32>} : memref<40xi32, #tpu.memory_space<vmem>>, vector<16xi32>,
      %swap3A_368 = vector.shape_cast %swap3A_367 : vector<16xi32> to vector<16xi32>
      %swap3A_369 = vector.shape_cast %get3A_365 : vector<16xi32> to vector<16xi32>
      tpu.vector_store %arg22[%swap3A_366], %swap3A_369 {strides = array<i32>} : memref<40xi32, #tpu.memory_space<vmem>>, vector<16xi32>,
      %dma_start3A_370 = arith.constant 0 : i32
      %dma_start3A_371 = arith.constant 0 : i32
      %dma_start3A_372 = tpu.memref_slice %arg10[%dma_start3A_370, %dma_start3A_371] : memref<40x128xf32, #tpu.memory_space<vmem>> -> memref<40x128xf32, #tpu.memory_space<vmem>>
      %dma_start3A_373 = arith.constant 0 : i32
      %dma_start3A_374 = arith.constant 0 : i32
      %dma_start3A_375 = tpu.memref_slice %arg24[%dma_start3A_373, %dma_start3A_374] : memref<1024x128xf32, #tpu.memory_space<vmem_shared>> -> memref<1024x128xf32, #tpu.memory_space<vmem_shared>>
      tpu.enqueue_indirect_dma source(%dma_start3A_372 : memref<40x128xf32, #tpu.memory_space<vmem>>) target(%dma_start3A_375 : memref<1024x128xf32, #tpu.memory_space<vmem_shared>>) offsets(%arg22 : memref<40xi32, #tpu.memory_space<vmem>>) semaphore(%arg35 : memref<!tpu.dma_semaphore, #tpu.memory_space<semaphore_mem>>) {add = true}
      %add3A_376 = arith.constant 6 : i32
      %add3A_377 = arith.addi %add3A_349, %add3A_376 : i32
      %lt3A_378 = arith.constant 250 : i32
      %lt3A_379 = arith.cmpi slt, %add3A_377, %lt3A_378 : i32
      %convert_element_type3A_380 = arith.extui %lt3A_379 : i1 to i32
      %cond3A_381 = arith.constant 0 : i32
      %cond3A_382 = arith.cmpi ne, %convert_element_type3A_380, %cond3A_381 : i32
      scf.if %cond3A_382 {
        %dma_wait3A_420 = arith.constant 0 : i32
        %dma_wait3A_421 = arith.constant 0 : i32
        %dma_wait3A_422 = tpu.memref_slice %arg10[%dma_wait3A_420, %dma_wait3A_421] : memref<40x128xf32, #tpu.memory_space<vmem>> -> memref<40x128xf32, #tpu.memory_space<vmem>>
        %dma_wait3A_423 = arith.constant 0 : i32
        %dma_wait3A_424 = arith.constant 0 : i32
        %dma_wait3A_425 = tpu.memref_slice %arg24[%dma_wait3A_423, %dma_wait3A_424] : memref<1024x128xf32, #tpu.memory_space<vmem_shared>> -> memref<1024x128xf32, #tpu.memory_space<vmem_shared>>
        tpu.wait_indirect_dma semaphore(%arg35 : memref<!tpu.dma_semaphore, #tpu.memory_space<semaphore_mem>>) src(%dma_wait3A_422 : memref<40x128xf32, #tpu.memory_space<vmem>>) dst(%dma_wait3A_425 : memref<1024x128xf32, #tpu.memory_space<vmem_shared>>)
        %add3A_426 = arith.constant 6 : i32
        %add3A_427 = arith.addi %add3A_349, %add3A_426 : i32
        %mul3A_428 = arith.constant 40 : i32
        %mul3A_429 = arith.muli %add3A_427, %mul3A_428 : i32
        %add3A_430 = arith.addi %mul3A_2, %mul3A_429 : i32
        %dma_start3A_431 = arith.constant 0 : i32
        %dma_start3A_432 = tpu.memref_slice %arg2[%add3A_430, %dma_start3A_431] : memref<320000x128xf32, #tpu.memory_space<hbm>> -> memref<40x128xf32, #tpu.memory_space<hbm>>
        %dma_start3A_433 = arith.constant 0 : i32
        %dma_start3A_434 = tpu.memref_slice %arg2[%add3A_430, %dma_start3A_433] : memref<320000x128xf32, #tpu.memory_space<hbm>> -> memref<40x128xf32, #tpu.memory_space<hbm>>
        tpu.enqueue_dma source(%dma_start3A_434 : memref<40x128xf32, #tpu.memory_space<hbm>>) target(%arg10 : memref<40x128xf32, #tpu.memory_space<vmem>>) target_semaphore(%arg29 : memref<!tpu.dma_semaphore, #tpu.memory_space<semaphore_mem>>)
        %dma_start3A_435 = tpu.memref_slice %arg3[%add3A_430] : memref<320000xi32, #tpu.memory_space<hbm>> -> memref<40xi32, #tpu.memory_space<hbm>>
        %dma_start3A_436 = tpu.memref_slice %arg3[%add3A_430] : memref<320000xi32, #tpu.memory_space<hbm>> -> memref<40xi32, #tpu.memory_space<hbm>>
        tpu.enqueue_dma source(%dma_start3A_436 : memref<40xi32, #tpu.memory_space<hbm>>) target(%arg16 : memref<40xi32, #tpu.memory_space<vmem>>) target_semaphore(%arg29 : memref<!tpu.dma_semaphore, #tpu.memory_space<semaphore_mem>>)
      } else {
      }
      %mul3A_383 = arith.constant 6 : i32
      %mul3A_384 = arith.muli %scan3A_200, %mul3A_383 : i32
      %add3A_385 = arith.constant 5 : i32
      %add3A_386 = arith.addi %mul3A_384, %add3A_385 : i32
      %dma_wait3A_387 = arith.constant 0 : i32
      %dma_wait3A_388 = tpu.memref_slice %arg2[%mul3A_2, %dma_wait3A_387] : memref<320000x128xf32, #tpu.memory_space<hbm>> -> memref<40x128xf32, #tpu.memory_space<hbm>>
      %dma_wait3A_389 = arith.constant 0 : i32
      %dma_wait3A_390 = tpu.memref_slice %arg2[%mul3A_2, %dma_wait3A_389] : memref<320000x128xf32, #tpu.memory_space<hbm>> -> memref<40x128xf32, #tpu.memory_space<hbm>>
      tpu.wait_dma2 semaphore(%arg30 : memref<!tpu.dma_semaphore, #tpu.memory_space<semaphore_mem>>) src(%dma_wait3A_390 : memref<40x128xf32, #tpu.memory_space<hbm>>) dst(%arg11 : memref<40x128xf32, #tpu.memory_space<vmem>>)
      %dma_wait3A_391 = tpu.memref_slice %arg3[%mul3A_2] : memref<320000xi32, #tpu.memory_space<hbm>> -> memref<40xi32, #tpu.memory_space<hbm>>
      %dma_wait3A_392 = tpu.memref_slice %arg3[%mul3A_2] : memref<320000xi32, #tpu.memory_space<hbm>> -> memref<40xi32, #tpu.memory_space<hbm>>
      tpu.wait_dma2 semaphore(%arg30 : memref<!tpu.dma_semaphore, #tpu.memory_space<semaphore_mem>>) src(%dma_wait3A_392 : memref<40xi32, #tpu.memory_space<hbm>>) dst(%arg17 : memref<40xi32, #tpu.memory_space<vmem>>)
      %get3A_393 = arith.constant 0 : index
      %get3A_394 = tpu.vector_load %arg17[%get3A_393] {strides = array<i32>} : memref<40xi32, #tpu.memory_space<vmem>>, vector<16xi32>,
      %get3A_395 = vector.shape_cast %get3A_394 : vector<16xi32> to vector<16xi32>
      %swap3A_396 = arith.constant 0 : index
      %swap3A_397 = tpu.vector_load %arg23[%swap3A_396] {strides = array<i32>} : memref<40xi32, #tpu.memory_space<vmem>>, vector<16xi32>,
      %swap3A_398 = vector.shape_cast %swap3A_397 : vector<16xi32> to vector<16xi32>
      %swap3A_399 = vector.shape_cast %get3A_395 : vector<16xi32> to vector<16xi32>
      tpu.vector_store %arg23[%swap3A_396], %swap3A_399 {strides = array<i32>} : memref<40xi32, #tpu.memory_space<vmem>>, vector<16xi32>,
      %get3A_400 = arith.constant 16 : index
      %get3A_401 = tpu.vector_load %arg17[%get3A_400] {strides = array<i32>} : memref<40xi32, #tpu.memory_space<vmem>>, vector<16xi32>,
      %get3A_402 = vector.shape_cast %get3A_401 : vector<16xi32> to vector<16xi32>
      %swap3A_403 = arith.constant 16 : index
      %swap3A_404 = tpu.vector_load %arg23[%swap3A_403] {strides = array<i32>} : memref<40xi32, #tpu.memory_space<vmem>>, vector<16xi32>,
      %swap3A_405 = vector.shape_cast %swap3A_404 : vector<16xi32> to vector<16xi32>
      %swap3A_406 = vector.shape_cast %get3A_402 : vector<16xi32> to vector<16xi32>
      tpu.vector_store %arg23[%swap3A_403], %swap3A_406 {strides = array<i32>} : memref<40xi32, #tpu.memory_space<vmem>>, vector<16xi32>,
      %dma_start3A_407 = arith.constant 0 : i32
      %dma_start3A_408 = arith.constant 0 : i32
      %dma_start3A_409 = tpu.memref_slice %arg11[%dma_start3A_407, %dma_start3A_408] : memref<40x128xf32, #tpu.memory_space<vmem>> -> memref<40x128xf32, #tpu.memory_space<vmem>>
      %dma_start3A_410 = arith.constant 0 : i32
      %dma_start3A_411 = arith.constant 0 : i32
      %dma_start3A_412 = tpu.memref_slice %arg24[%dma_start3A_410, %dma_start3A_411] : memref<1024x128xf32, #tpu.memory_space<vmem_shared>> -> memref<1024x128xf32, #tpu.memory_space<vmem_shared>>
      tpu.enqueue_indirect_dma source(%dma_start3A_409 : memref<40x128xf32, #tpu.memory_space<vmem>>) target(%dma_start3A_412 : memref<1024x128xf32, #tpu.memory_space<vmem_shared>>) offsets(%arg23 : memref<40xi32, #tpu.memory_space<vmem>>) semaphore(%arg36 : memref<!tpu.dma_semaphore, #tpu.memory_space<semaphore_mem>>) {add = true}
      %add3A_413 = arith.constant 6 : i32
      %add3A_414 = arith.addi %add3A_386, %add3A_413 : i32
      %lt3A_415 = arith.constant 250 : i32
      %lt3A_416 = arith.cmpi slt, %add3A_414, %lt3A_415 : i32
      %convert_element_type3A_417 = arith.extui %lt3A_416 : i1 to i32
      %cond3A_418 = arith.constant 0 : i32
      %cond3A_419 = arith.cmpi ne, %convert_element_type3A_417, %cond3A_418 : i32
      scf.if %cond3A_419 {
        %dma_wait3A_420 = arith.constant 0 : i32
        %dma_wait3A_421 = arith.constant 0 : i32
        %dma_wait3A_422 = tpu.memref_slice %arg11[%dma_wait3A_420, %dma_wait3A_421] : memref<40x128xf32, #tpu.memory_space<vmem>> -> memref<40x128xf32, #tpu.memory_space<vmem>>
        %dma_wait3A_423 = arith.constant 0 : i32
        %dma_wait3A_424 = arith.constant 0 : i32
        %dma_wait3A_425 = tpu.memref_slice %arg24[%dma_wait3A_423, %dma_wait3A_424] : memref<1024x128xf32, #tpu.memory_space<vmem_shared>> -> memref<1024x128xf32, #tpu.memory_space<vmem_shared>>
        tpu.wait_indirect_dma semaphore(%arg36 : memref<!tpu.dma_semaphore, #tpu.memory_space<semaphore_mem>>) src(%dma_wait3A_422 : memref<40x128xf32, #tpu.memory_space<vmem>>) dst(%dma_wait3A_425 : memref<1024x128xf32, #tpu.memory_space<vmem_shared>>)
        %add3A_426 = arith.constant 6 : i32
        %add3A_427 = arith.addi %add3A_386, %add3A_426 : i32
        %mul3A_428 = arith.constant 40 : i32
        %mul3A_429 = arith.muli %add3A_427, %mul3A_428 : i32
        %add3A_430 = arith.addi %mul3A_2, %mul3A_429 : i32
        %dma_start3A_431 = arith.constant 0 : i32
        %dma_start3A_432 = tpu.memref_slice %arg2[%add3A_430, %dma_start3A_431] : memref<320000x128xf32, #tpu.memory_space<hbm>> -> memref<40x128xf32, #tpu.memory_space<hbm>>
        %dma_start3A_433 = arith.constant 0 : i32
        %dma_start3A_434 = tpu.memref_slice %arg2[%add3A_430, %dma_start3A_433] : memref<320000x128xf32, #tpu.memory_space<hbm>> -> memref<40x128xf32, #tpu.memory_space<hbm>>
        tpu.enqueue_dma source(%dma_start3A_434 : memref<40x128xf32, #tpu.memory_space<hbm>>) target(%arg11 : memref<40x128xf32, #tpu.memory_space<vmem>>) target_semaphore(%arg30 : memref<!tpu.dma_semaphore, #tpu.memory_space<semaphore_mem>>)
        %dma_start3A_435 = tpu.memref_slice %arg3[%add3A_430] : memref<320000xi32, #tpu.memory_space<hbm>> -> memref<40xi32, #tpu.memory_space<hbm>>
        %dma_start3A_436 = tpu.memref_slice %arg3[%add3A_430] : memref<320000xi32, #tpu.memory_space<hbm>> -> memref<40xi32, #tpu.memory_space<hbm>>
        tpu.enqueue_dma source(%dma_start3A_436 : memref<40xi32, #tpu.memory_space<hbm>>) target(%arg17 : memref<40xi32, #tpu.memory_space<vmem>>) target_semaphore(%arg30 : memref<!tpu.dma_semaphore, #tpu.memory_space<semaphore_mem>>)
      } else {
      }
    }
    %scan3A_56 = arith.constant 41 : i32
    %dma_wait3A = arith.constant 0 : i32
    %dma_wait3A_57 = tpu.memref_slice %arg2[%mul3A_2, %dma_wait3A] : memref<320000x128xf32, #tpu.memory_space<hbm>> -> memref<40x128xf32, #tpu.memory_space<hbm>>
    %dma_wait3A_58 = arith.constant 0 : i32
    %dma_wait3A_59 = tpu.memref_slice %arg2[%mul3A_2, %dma_wait3A_58] : memref<320000x128xf32, #tpu.memory_space<hbm>> -> memref<40x128xf32, #tpu.memory_space<hbm>>
    tpu.wait_dma2 semaphore(%arg25 : memref<!tpu.dma_semaphore, #tpu.memory_space<semaphore_mem>>) src(%dma_wait3A_59 : memref<40x128xf32, #tpu.memory_space<hbm>>) dst(%arg6 : memref<40x128xf32, #tpu.memory_space<vmem>>)
    %dma_wait3A_60 = tpu.memref_slice %arg3[%mul3A_2] : memref<320000xi32, #tpu.memory_space<hbm>> -> memref<40xi32, #tpu.memory_space<hbm>>
    %dma_wait3A_61 = tpu.memref_slice %arg3[%mul3A_2] : memref<320000xi32, #tpu.memory_space<hbm>> -> memref<40xi32, #tpu.memory_space<hbm>>
    tpu.wait_dma2 semaphore(%arg25 : memref<!tpu.dma_semaphore, #tpu.memory_space<semaphore_mem>>) src(%dma_wait3A_61 : memref<40xi32, #tpu.memory_space<hbm>>) dst(%arg12 : memref<40xi32, #tpu.memory_space<vmem>>)
    %get3A = arith.constant 0 : index
    %get3A_62 = tpu.vector_load %arg12[%get3A] {strides = array<i32>} : memref<40xi32, #tpu.memory_space<vmem>>, vector<16xi32>,
    %get3A_63 = vector.shape_cast %get3A_62 : vector<16xi32> to vector<16xi32>
    %swap3A = arith.constant 0 : index
    %swap3A_64 = tpu.vector_load %arg18[%swap3A] {strides = array<i32>} : memref<40xi32, #tpu.memory_space<vmem>>, vector<16xi32>,
    %swap3A_65 = vector.shape_cast %swap3A_64 : vector<16xi32> to vector<16xi32>
    %swap3A_66 = vector.shape_cast %get3A_63 : vector<16xi32> to vector<16xi32>
    tpu.vector_store %arg18[%swap3A], %swap3A_66 {strides = array<i32>} : memref<40xi32, #tpu.memory_space<vmem>>, vector<16xi32>,
    %get3A_67 = arith.constant 16 : index
    %get3A_68 = tpu.vector_load %arg12[%get3A_67] {strides = array<i32>} : memref<40xi32, #tpu.memory_space<vmem>>, vector<16xi32>,
    %get3A_69 = vector.shape_cast %get3A_68 : vector<16xi32> to vector<16xi32>
    %swap3A_70 = arith.constant 16 : index
    %swap3A_71 = tpu.vector_load %arg18[%swap3A_70] {strides = array<i32>} : memref<40xi32, #tpu.memory_space<vmem>>, vector<16xi32>,
    %swap3A_72 = vector.shape_cast %swap3A_71 : vector<16xi32> to vector<16xi32>
    %swap3A_73 = vector.shape_cast %get3A_69 : vector<16xi32> to vector<16xi32>
    tpu.vector_store %arg18[%swap3A_70], %swap3A_73 {strides = array<i32>} : memref<40xi32, #tpu.memory_space<vmem>>, vector<16xi32>,
    %dma_start3A_74 = arith.constant 0 : i32
    %dma_start3A_75 = arith.constant 0 : i32
    %dma_start3A_76 = tpu.memref_slice %arg6[%dma_start3A_74, %dma_start3A_75] : memref<40x128xf32, #tpu.memory_space<vmem>> -> memref<40x128xf32, #tpu.memory_space<vmem>>
    %dma_start3A_77 = arith.constant 0 : i32
    %dma_start3A_78 = arith.constant 0 : i32
    %dma_start3A_79 = tpu.memref_slice %arg24[%dma_start3A_77, %dma_start3A_78] : memref<1024x128xf32, #tpu.memory_space<vmem_shared>> -> memref<1024x128xf32, #tpu.memory_space<vmem_shared>>
    tpu.enqueue_indirect_dma source(%dma_start3A_76 : memref<40x128xf32, #tpu.memory_space<vmem>>) target(%dma_start3A_79 : memref<1024x128xf32, #tpu.memory_space<vmem_shared>>) offsets(%arg18 : memref<40xi32, #tpu.memory_space<vmem>>) semaphore(%arg31 : memref<!tpu.dma_semaphore, #tpu.memory_space<semaphore_mem>>) {add = true}
    %dma_wait3A_80 = arith.constant 0 : i32
    %dma_wait3A_81 = tpu.memref_slice %arg2[%mul3A_2, %dma_wait3A_80] : memref<320000x128xf32, #tpu.memory_space<hbm>> -> memref<40x128xf32, #tpu.memory_space<hbm>>
    %dma_wait3A_82 = arith.constant 0 : i32
    %dma_wait3A_83 = tpu.memref_slice %arg2[%mul3A_2, %dma_wait3A_82] : memref<320000x128xf32, #tpu.memory_space<hbm>> -> memref<40x128xf32, #tpu.memory_space<hbm>>
    tpu.wait_dma2 semaphore(%arg26 : memref<!tpu.dma_semaphore, #tpu.memory_space<semaphore_mem>>) src(%dma_wait3A_83 : memref<40x128xf32, #tpu.memory_space<hbm>>) dst(%arg7 : memref<40x128xf32, #tpu.memory_space<vmem>>)
    %dma_wait3A_84 = tpu.memref_slice %arg3[%mul3A_2] : memref<320000xi32, #tpu.memory_space<hbm>> -> memref<40xi32, #tpu.memory_space<hbm>>
    %dma_wait3A_85 = tpu.memref_slice %arg3[%mul3A_2] : memref<320000xi32, #tpu.memory_space<hbm>> -> memref<40xi32, #tpu.memory_space<hbm>>
    tpu.wait_dma2 semaphore(%arg26 : memref<!tpu.dma_semaphore, #tpu.memory_space<semaphore_mem>>) src(%dma_wait3A_85 : memref<40xi32, #tpu.memory_space<hbm>>) dst(%arg13 : memref<40xi32, #tpu.memory_space<vmem>>)
    %get3A_86 = arith.constant 0 : index
    %get3A_87 = tpu.vector_load %arg13[%get3A_86] {strides = array<i32>} : memref<40xi32, #tpu.memory_space<vmem>>, vector<16xi32>,
    %get3A_88 = vector.shape_cast %get3A_87 : vector<16xi32> to vector<16xi32>
    %swap3A_89 = arith.constant 0 : index
    %swap3A_90 = tpu.vector_load %arg19[%swap3A_89] {strides = array<i32>} : memref<40xi32, #tpu.memory_space<vmem>>, vector<16xi32>,
    %swap3A_91 = vector.shape_cast %swap3A_90 : vector<16xi32> to vector<16xi32>
    %swap3A_92 = vector.shape_cast %get3A_88 : vector<16xi32> to vector<16xi32>
    tpu.vector_store %arg19[%swap3A_89], %swap3A_92 {strides = array<i32>} : memref<40xi32, #tpu.memory_space<vmem>>, vector<16xi32>,
    %get3A_93 = arith.constant 16 : index
    %get3A_94 = tpu.vector_load %arg13[%get3A_93] {strides = array<i32>} : memref<40xi32, #tpu.memory_space<vmem>>, vector<16xi32>,
    %get3A_95 = vector.shape_cast %get3A_94 : vector<16xi32> to vector<16xi32>
    %swap3A_96 = arith.constant 16 : index
    %swap3A_97 = tpu.vector_load %arg19[%swap3A_96] {strides = array<i32>} : memref<40xi32, #tpu.memory_space<vmem>>, vector<16xi32>,
    %swap3A_98 = vector.shape_cast %swap3A_97 : vector<16xi32> to vector<16xi32>
    %swap3A_99 = vector.shape_cast %get3A_95 : vector<16xi32> to vector<16xi32>
    tpu.vector_store %arg19[%swap3A_96], %swap3A_99 {strides = array<i32>} : memref<40xi32, #tpu.memory_space<vmem>>, vector<16xi32>,
    %dma_start3A_100 = arith.constant 0 : i32
    %dma_start3A_101 = arith.constant 0 : i32
    %dma_start3A_102 = tpu.memref_slice %arg7[%dma_start3A_100, %dma_start3A_101] : memref<40x128xf32, #tpu.memory_space<vmem>> -> memref<40x128xf32, #tpu.memory_space<vmem>>
    %dma_start3A_103 = arith.constant 0 : i32
    %dma_start3A_104 = arith.constant 0 : i32
    %dma_start3A_105 = tpu.memref_slice %arg24[%dma_start3A_103, %dma_start3A_104] : memref<1024x128xf32, #tpu.memory_space<vmem_shared>> -> memref<1024x128xf32, #tpu.memory_space<vmem_shared>>
    tpu.enqueue_indirect_dma source(%dma_start3A_102 : memref<40x128xf32, #tpu.memory_space<vmem>>) target(%dma_start3A_105 : memref<1024x128xf32, #tpu.memory_space<vmem_shared>>) offsets(%arg19 : memref<40xi32, #tpu.memory_space<vmem>>) semaphore(%arg32 : memref<!tpu.dma_semaphore, #tpu.memory_space<semaphore_mem>>) {add = true}
    %dma_wait3A_106 = arith.constant 0 : i32
    %dma_wait3A_107 = tpu.memref_slice %arg2[%mul3A_2, %dma_wait3A_106] : memref<320000x128xf32, #tpu.memory_space<hbm>> -> memref<40x128xf32, #tpu.memory_space<hbm>>
    %dma_wait3A_108 = arith.constant 0 : i32
    %dma_wait3A_109 = tpu.memref_slice %arg2[%mul3A_2, %dma_wait3A_108] : memref<320000x128xf32, #tpu.memory_space<hbm>> -> memref<40x128xf32, #tpu.memory_space<hbm>>
    tpu.wait_dma2 semaphore(%arg27 : memref<!tpu.dma_semaphore, #tpu.memory_space<semaphore_mem>>) src(%dma_wait3A_109 : memref<40x128xf32, #tpu.memory_space<hbm>>) dst(%arg8 : memref<40x128xf32, #tpu.memory_space<vmem>>)
    %dma_wait3A_110 = tpu.memref_slice %arg3[%mul3A_2] : memref<320000xi32, #tpu.memory_space<hbm>> -> memref<40xi32, #tpu.memory_space<hbm>>
    %dma_wait3A_111 = tpu.memref_slice %arg3[%mul3A_2] : memref<320000xi32, #tpu.memory_space<hbm>> -> memref<40xi32, #tpu.memory_space<hbm>>
    tpu.wait_dma2 semaphore(%arg27 : memref<!tpu.dma_semaphore, #tpu.memory_space<semaphore_mem>>) src(%dma_wait3A_111 : memref<40xi32, #tpu.memory_space<hbm>>) dst(%arg14 : memref<40xi32, #tpu.memory_space<vmem>>)
    %get3A_112 = arith.constant 0 : index
    %get3A_113 = tpu.vector_load %arg14[%get3A_112] {strides = array<i32>} : memref<40xi32, #tpu.memory_space<vmem>>, vector<16xi32>,
    %get3A_114 = vector.shape_cast %get3A_113 : vector<16xi32> to vector<16xi32>
    %swap3A_115 = arith.constant 0 : index
    %swap3A_116 = tpu.vector_load %arg20[%swap3A_115] {strides = array<i32>} : memref<40xi32, #tpu.memory_space<vmem>>, vector<16xi32>,
    %swap3A_117 = vector.shape_cast %swap3A_116 : vector<16xi32> to vector<16xi32>
    %swap3A_118 = vector.shape_cast %get3A_114 : vector<16xi32> to vector<16xi32>
    tpu.vector_store %arg20[%swap3A_115], %swap3A_118 {strides = array<i32>} : memref<40xi32, #tpu.memory_space<vmem>>, vector<16xi32>,
    %get3A_119 = arith.constant 16 : index
    %get3A_120 = tpu.vector_load %arg14[%get3A_119] {strides = array<i32>} : memref<40xi32, #tpu.memory_space<vmem>>, vector<16xi32>,
    %get3A_121 = vector.shape_cast %get3A_120 : vector<16xi32> to vector<16xi32>
    %swap3A_122 = arith.constant 16 : index
    %swap3A_123 = tpu.vector_load %arg20[%swap3A_122] {strides = array<i32>} : memref<40xi32, #tpu.memory_space<vmem>>, vector<16xi32>,
    %swap3A_124 = vector.shape_cast %swap3A_123 : vector<16xi32> to vector<16xi32>
    %swap3A_125 = vector.shape_cast %get3A_121 : vector<16xi32> to vector<16xi32>
    tpu.vector_store %arg20[%swap3A_122], %swap3A_125 {strides = array<i32>} : memref<40xi32, #tpu.memory_space<vmem>>, vector<16xi32>,
    %dma_start3A_126 = arith.constant 0 : i32
    %dma_start3A_127 = arith.constant 0 : i32
    %dma_start3A_128 = tpu.memref_slice %arg8[%dma_start3A_126, %dma_start3A_127] : memref<40x128xf32, #tpu.memory_space<vmem>> -> memref<40x128xf32, #tpu.memory_space<vmem>>
    %dma_start3A_129 = arith.constant 0 : i32
    %dma_start3A_130 = arith.constant 0 : i32
    %dma_start3A_131 = tpu.memref_slice %arg24[%dma_start3A_129, %dma_start3A_130] : memref<1024x128xf32, #tpu.memory_space<vmem_shared>> -> memref<1024x128xf32, #tpu.memory_space<vmem_shared>>
    tpu.enqueue_indirect_dma source(%dma_start3A_128 : memref<40x128xf32, #tpu.memory_space<vmem>>) target(%dma_start3A_131 : memref<1024x128xf32, #tpu.memory_space<vmem_shared>>) offsets(%arg20 : memref<40xi32, #tpu.memory_space<vmem>>) semaphore(%arg33 : memref<!tpu.dma_semaphore, #tpu.memory_space<semaphore_mem>>) {add = true}
    %dma_wait3A_132 = arith.constant 0 : i32
    %dma_wait3A_133 = tpu.memref_slice %arg2[%mul3A_2, %dma_wait3A_132] : memref<320000x128xf32, #tpu.memory_space<hbm>> -> memref<40x128xf32, #tpu.memory_space<hbm>>
    %dma_wait3A_134 = arith.constant 0 : i32
    %dma_wait3A_135 = tpu.memref_slice %arg2[%mul3A_2, %dma_wait3A_134] : memref<320000x128xf32, #tpu.memory_space<hbm>> -> memref<40x128xf32, #tpu.memory_space<hbm>>
    tpu.wait_dma2 semaphore(%arg28 : memref<!tpu.dma_semaphore, #tpu.memory_space<semaphore_mem>>) src(%dma_wait3A_135 : memref<40x128xf32, #tpu.memory_space<hbm>>) dst(%arg9 : memref<40x128xf32, #tpu.memory_space<vmem>>)
    %dma_wait3A_136 = tpu.memref_slice %arg3[%mul3A_2] : memref<320000xi32, #tpu.memory_space<hbm>> -> memref<40xi32, #tpu.memory_space<hbm>>
    %dma_wait3A_137 = tpu.memref_slice %arg3[%mul3A_2] : memref<320000xi32, #tpu.memory_space<hbm>> -> memref<40xi32, #tpu.memory_space<hbm>>
    tpu.wait_dma2 semaphore(%arg28 : memref<!tpu.dma_semaphore, #tpu.memory_space<semaphore_mem>>) src(%dma_wait3A_137 : memref<40xi32, #tpu.memory_space<hbm>>) dst(%arg15 : memref<40xi32, #tpu.memory_space<vmem>>)
    %get3A_138 = arith.constant 0 : index
    %get3A_139 = tpu.vector_load %arg15[%get3A_138] {strides = array<i32>} : memref<40xi32, #tpu.memory_space<vmem>>, vector<16xi32>,
    %get3A_140 = vector.shape_cast %get3A_139 : vector<16xi32> to vector<16xi32>
    %swap3A_141 = arith.constant 0 : index
    %swap3A_142 = tpu.vector_load %arg21[%swap3A_141] {strides = array<i32>} : memref<40xi32, #tpu.memory_space<vmem>>, vector<16xi32>,
    %swap3A_143 = vector.shape_cast %swap3A_142 : vector<16xi32> to vector<16xi32>
    %swap3A_144 = vector.shape_cast %get3A_140 : vector<16xi32> to vector<16xi32>
    tpu.vector_store %arg21[%swap3A_141], %swap3A_144 {strides = array<i32>} : memref<40xi32, #tpu.memory_space<vmem>>, vector<16xi32>,
    %get3A_145 = arith.constant 16 : index
    %get3A_146 = tpu.vector_load %arg15[%get3A_145] {strides = array<i32>} : memref<40xi32, #tpu.memory_space<vmem>>, vector<16xi32>,
    %get3A_147 = vector.shape_cast %get3A_146 : vector<16xi32> to vector<16xi32>
    %swap3A_148 = arith.constant 16 : index
    %swap3A_149 = tpu.vector_load %arg21[%swap3A_148] {strides = array<i32>} : memref<40xi32, #tpu.memory_space<vmem>>, vector<16xi32>,
    %swap3A_150 = vector.shape_cast %swap3A_149 : vector<16xi32> to vector<16xi32>
    %swap3A_151 = vector.shape_cast %get3A_147 : vector<16xi32> to vector<16xi32>
    tpu.vector_store %arg21[%swap3A_148], %swap3A_151 {strides = array<i32>} : memref<40xi32, #tpu.memory_space<vmem>>, vector<16xi32>,
    %dma_start3A_152 = arith.constant 0 : i32
    %dma_start3A_153 = arith.constant 0 : i32
    %dma_start3A_154 = tpu.memref_slice %arg9[%dma_start3A_152, %dma_start3A_153] : memref<40x128xf32, #tpu.memory_space<vmem>> -> memref<40x128xf32, #tpu.memory_space<vmem>>
    %dma_start3A_155 = arith.constant 0 : i32
    %dma_start3A_156 = arith.constant 0 : i32
    %dma_start3A_157 = tpu.memref_slice %arg24[%dma_start3A_155, %dma_start3A_156] : memref<1024x128xf32, #tpu.memory_space<vmem_shared>> -> memref<1024x128xf32, #tpu.memory_space<vmem_shared>>
    tpu.enqueue_indirect_dma source(%dma_start3A_154 : memref<40x128xf32, #tpu.memory_space<vmem>>) target(%dma_start3A_157 : memref<1024x128xf32, #tpu.memory_space<vmem_shared>>) offsets(%arg21 : memref<40xi32, #tpu.memory_space<vmem>>) semaphore(%arg34 : memref<!tpu.dma_semaphore, #tpu.memory_space<semaphore_mem>>) {add = true}
    %dma_wait3A_158 = arith.constant 0 : i32
    %dma_wait3A_159 = arith.constant 0 : i32
    %dma_wait3A_160 = tpu.memref_slice %arg6[%dma_wait3A_158, %dma_wait3A_159] : memref<40x128xf32, #tpu.memory_space<vmem>> -> memref<40x128xf32, #tpu.memory_space<vmem>>
    %dma_wait3A_161 = arith.constant 0 : i32
    %dma_wait3A_162 = arith.constant 0 : i32
    %dma_wait3A_163 = tpu.memref_slice %arg24[%dma_wait3A_161, %dma_wait3A_162] : memref<1024x128xf32, #tpu.memory_space<vmem_shared>> -> memref<1024x128xf32, #tpu.memory_space<vmem_shared>>
    tpu.wait_indirect_dma semaphore(%arg31 : memref<!tpu.dma_semaphore, #tpu.memory_space<semaphore_mem>>) src(%dma_wait3A_160 : memref<40x128xf32, #tpu.memory_space<vmem>>) dst(%dma_wait3A_163 : memref<1024x128xf32, #tpu.memory_space<vmem_shared>>)
    %dma_wait3A_164 = arith.constant 0 : i32
    %dma_wait3A_165 = arith.constant 0 : i32
    %dma_wait3A_166 = tpu.memref_slice %arg7[%dma_wait3A_164, %dma_wait3A_165] : memref<40x128xf32, #tpu.memory_space<vmem>> -> memref<40x128xf32, #tpu.memory_space<vmem>>
    %dma_wait3A_167 = arith.constant 0 : i32
    %dma_wait3A_168 = arith.constant 0 : i32
    %dma_wait3A_169 = tpu.memref_slice %arg24[%dma_wait3A_167, %dma_wait3A_168] : memref<1024x128xf32, #tpu.memory_space<vmem_shared>> -> memref<1024x128xf32, #tpu.memory_space<vmem_shared>>
    tpu.wait_indirect_dma semaphore(%arg32 : memref<!tpu.dma_semaphore, #tpu.memory_space<semaphore_mem>>) src(%dma_wait3A_166 : memref<40x128xf32, #tpu.memory_space<vmem>>) dst(%dma_wait3A_169 : memref<1024x128xf32, #tpu.memory_space<vmem_shared>>)
    %dma_wait3A_170 = arith.constant 0 : i32
    %dma_wait3A_171 = arith.constant 0 : i32
    %dma_wait3A_172 = tpu.memref_slice %arg8[%dma_wait3A_170, %dma_wait3A_171] : memref<40x128xf32, #tpu.memory_space<vmem>> -> memref<40x128xf32, #tpu.memory_space<vmem>>
    %dma_wait3A_173 = arith.constant 0 : i32
    %dma_wait3A_174 = arith.constant 0 : i32
    %dma_wait3A_175 = tpu.memref_slice %arg24[%dma_wait3A_173, %dma_wait3A_174] : memref<1024x128xf32, #tpu.memory_space<vmem_shared>> -> memref<1024x128xf32, #tpu.memory_space<vmem_shared>>
    tpu.wait_indirect_dma semaphore(%arg33 : memref<!tpu.dma_semaphore, #tpu.memory_space<semaphore_mem>>) src(%dma_wait3A_172 : memref<40x128xf32, #tpu.memory_space<vmem>>) dst(%dma_wait3A_175 : memref<1024x128xf32, #tpu.memory_space<vmem_shared>>)
    %dma_wait3A_176 = arith.constant 0 : i32
    %dma_wait3A_177 = arith.constant 0 : i32
    %dma_wait3A_178 = tpu.memref_slice %arg9[%dma_wait3A_176, %dma_wait3A_177] : memref<40x128xf32, #tpu.memory_space<vmem>> -> memref<40x128xf32, #tpu.memory_space<vmem>>
    %dma_wait3A_179 = arith.constant 0 : i32
    %dma_wait3A_180 = arith.constant 0 : i32
    %dma_wait3A_181 = tpu.memref_slice %arg24[%dma_wait3A_179, %dma_wait3A_180] : memref<1024x128xf32, #tpu.memory_space<vmem_shared>> -> memref<1024x128xf32, #tpu.memory_space<vmem_shared>>
    tpu.wait_indirect_dma semaphore(%arg34 : memref<!tpu.dma_semaphore, #tpu.memory_space<semaphore_mem>>) src(%dma_wait3A_178 : memref<40x128xf32, #tpu.memory_space<vmem>>) dst(%dma_wait3A_181 : memref<1024x128xf32, #tpu.memory_space<vmem_shared>>)
    %dma_wait3A_182 = arith.constant 0 : i32
    %dma_wait3A_183 = arith.constant 0 : i32
    %dma_wait3A_184 = tpu.memref_slice %arg10[%dma_wait3A_182, %dma_wait3A_183] : memref<40x128xf32, #tpu.memory_space<vmem>> -> memref<40x128xf32, #tpu.memory_space<vmem>>
    %dma_wait3A_185 = arith.constant 0 : i32
    %dma_wait3A_186 = arith.constant 0 : i32
    %dma_wait3A_187 = tpu.memref_slice %arg24[%dma_wait3A_185, %dma_wait3A_186] : memref<1024x128xf32, #tpu.memory_space<vmem_shared>> -> memref<1024x128xf32, #tpu.memory_space<vmem_shared>>
    tpu.wait_indirect_dma semaphore(%arg35 : memref<!tpu.dma_semaphore, #tpu.memory_space<semaphore_mem>>) src(%dma_wait3A_184 : memref<40x128xf32, #tpu.memory_space<vmem>>) dst(%dma_wait3A_187 : memref<1024x128xf32, #tpu.memory_space<vmem_shared>>)
    %dma_wait3A_188 = arith.constant 0 : i32
    %dma_wait3A_189 = arith.constant 0 : i32
    %dma_wait3A_190 = tpu.memref_slice %arg11[%dma_wait3A_188, %dma_wait3A_189] : memref<40x128xf32, #tpu.memory_space<vmem>> -> memref<40x128xf32, #tpu.memory_space<vmem>>
    %dma_wait3A_191 = arith.constant 0 : i32
    %dma_wait3A_192 = arith.constant 0 : i32
    %dma_wait3A_193 = tpu.memref_slice %arg24[%dma_wait3A_191, %dma_wait3A_192] : memref<1024x128xf32, #tpu.memory_space<vmem_shared>> -> memref<1024x128xf32, #tpu.memory_space<vmem_shared>>
    tpu.wait_indirect_dma semaphore(%arg36 : memref<!tpu.dma_semaphore, #tpu.memory_space<semaphore_mem>>) src(%dma_wait3A_190 : memref<40x128xf32, #tpu.memory_space<vmem>>) dst(%dma_wait3A_193 : memref<1024x128xf32, #tpu.memory_space<vmem_shared>>)
    %barrier3A_194 = arith.constant 0 : index
    tpu.barrier barrier_id(%barrier3A_194)
    %mul3A_195 = arith.constant 64 : i32
    %mul3A_196 = arith.muli %arg1, %mul3A_195 : i32
    %mul3A_197 = arith.constant 1024 : i32
    %mul3A_198 = arith.muli %arg0, %mul3A_197 : i32
    %add3A_199 = arith.addi %mul3A_198, %mul3A_196 : i32
    "tpu.region"() ({
      %run_scoped3A = tpu.sem_alloc : memref<!tpu.dma_semaphore, #tpu.memory_space<semaphore_mem>>
      %dma_start3A_200 = arith.constant 0 : i32
      %dma_start3A_201 = tpu.memref_slice %arg5[%add3A_199, %dma_start3A_200] : memref<2048x128xf32, #tpu.memory_space<hbm>> -> memref<64x128xf32, #tpu.memory_space<hbm>>
      %dma_start3A_202 = arith.constant 0 : i32
      %dma_start3A_203 = tpu.memref_slice %arg24[%mul3A_196, %dma_start3A_202] : memref<1024x128xf32, #tpu.memory_space<vmem_shared>> -> memref<64x128xf32, #tpu.memory_space<vmem_shared>>
      tpu.enqueue_dma source(%dma_start3A_203 : memref<64x128xf32, #tpu.memory_space<vmem_shared>>) target(%dma_start3A_201 : memref<64x128xf32, #tpu.memory_space<hbm>>) target_semaphore(%run_scoped3A : memref<!tpu.dma_semaphore, #tpu.memory_space<semaphore_mem>>)
      %dma_wait3A_204 = arith.constant 0 : i32
      %dma_wait3A_205 = tpu.memref_slice %arg5[%add3A_199, %dma_wait3A_204] : memref<2048x128xf32, #tpu.memory_space<hbm>> -> memref<64x128xf32, #tpu.memory_space<hbm>>
      %dma_wait3A_206 = arith.constant 0 : i32
      %dma_wait3A_207 = tpu.memref_slice %arg24[%mul3A_196, %dma_wait3A_206] : memref<1024x128xf32, #tpu.memory_space<vmem_shared>> -> memref<64x128xf32, #tpu.memory_space<vmem_shared>>
      tpu.wait_dma2 semaphore(%run_scoped3A : memref<!tpu.dma_semaphore, #tpu.memory_space<semaphore_mem>>) src(%dma_wait3A_207 : memref<64x128xf32, #tpu.memory_space<vmem_shared>>) dst(%dma_wait3A_205 : memref<64x128xf32, #tpu.memory_space<hbm>>)
      tpu.yield
    }) : () -> ()
    return
  }
}

module attributes {stable_mosaic.version = 14 : i64} {
  func.func @_combine_body(%arg0: memref<2x1024x128xf32, #tpu.memory_space<vmem>>, %arg1: memref<1024x128xf32, #tpu.memory_space<vmem>>) attributes {dimension_semantics = [], scalar_prefetch = 0 : i64, scratch_operands = 0 : i64, tpu.core_type = #tpu.core_type<tc>} {
    %get3A = arith.constant 0 : index
    %get3A_0 = arith.constant 0 : index
    %get3A_1 = arith.constant 0 : index
    %get3A_2 = vector.load %arg0[%get3A, %get3A_0, %get3A_1] : memref<2x1024x128xf32, #tpu.memory_space<vmem>>, vector<1x1024x128xf32>
    %get3A_3 = vector.shape_cast %get3A_2 : vector<1x1024x128xf32> to vector<1024x128xf32>
    %get3A_4 = arith.constant 1 : index
    %get3A_5 = arith.constant 0 : index
    %get3A_6 = arith.constant 0 : index
    %get3A_7 = vector.load %arg0[%get3A_4, %get3A_5, %get3A_6] : memref<2x1024x128xf32, #tpu.memory_space<vmem>>, vector<1x1024x128xf32>
    %get3A_8 = vector.shape_cast %get3A_7 : vector<1x1024x128xf32> to vector<1024x128xf32>
    %add3A = arith.addf %get3A_3, %get3A_8 : vector<1024x128xf32>
    %swap3A = arith.constant 0 : index
    %swap3A_9 = arith.constant 0 : index
    %swap3A_10 = vector.load %arg1[%swap3A, %swap3A_9] : memref<1024x128xf32, #tpu.memory_space<vmem>>, vector<1024x128xf32>
    tpu.vector_store %arg1[%swap3A, %swap3A_9], %add3A {strides = array<i32>} : memref<1024x128xf32, #tpu.memory_space<vmem>>, vector<1024x128xf32>,
    return
  }
}

</mosaic_0001>

<sc_bundles>
// kernel: kernel.4.cloned.1.call-start
scs
__scs_entry_jumppad:
0x0: {  	(pc) =	sbr.rel $0x88, $3  }
0x1: {  	(tag) =	ssettag $0x0;
	lr =	simm.s32 $0x1  }
0x2: {  	[smem:$0x3F9F] =	sst lr;
	_ =	strace $0xD0000000  }
0x3: {  	_ = 	snop  }
0x4: {  	_ = 	snop  }
0x5: {  	_ = 	snop  }
0x6: {  	_ = 	snop  }
0x7: {  	_ = 	snop  }
__scs_overlays_trampoline_lowered:
0x8: {  	[smem:$0x3FAE] =	sst s0  }
0x9: {  	[smem:$0x3FAF] =	sst s1  }
0xa: {  	[smem:$0x3FB0] =	sst s2  }
0xb: {  	[smem:$0x3FB1] =	sst s3  }
0xc: {  	[smem:$0x3FB2] =	sst s4  }
0xd: {  	[smem:$0x3FB3] =	sst s5  }
0xe: {  	[smem:$0x3FB4] =	sst s6  }
0xf: {  	[smem:$0x3FB5] =	sst s7  }
0x10: {  	[smem:$0x3FB6] =	sst s8  }
0x11: {  	[smem:$0x3FB7] =	sst s9;
	s0 =	simm.s32 @!p0 $0x0  }
0x12: {  	s1 =	sld [smem:$0x3F9D];
	s0 =	simm.s32 @p0 $0x1  }
0x13: {  	[smem:$0x3FB8] =	sst s0;
	s0 =	simm.s32 @!p1 $0x0  }
0x14: {  	s2 =	sld [smem:$0x3F9C];
	s0 =	simm.s32 @p1 $0x1  }
0x15: {  	[smem:$0x3FB9] =	sst s0;
	s0 =	simm.s32 @!p2 $0x0  }
0x16: {  	s3 =	sld [smem:$0x3FDB];
	s0 =	simm.s32 @p2 $0x1  }
0x17: {  	s4 =	simm.s32 $0x1BF5;
	[smem:$0x3FBB] =	sst s0  }
0x18: {  	s0 =	sld [smem:$0x3F9E];
	_ =	swait.ge [sflag:s4], $0x0  }
0x19: {  	s7 =	sld [smem:$0x3F9F]  }
0x1a: {  	s8 =	sadd.s32 $0xFFFFE003, lr  }
0x1b: {  	s9 =	sadd.s32 $0xFFFFFEF7, lr;
	s5 =	simm.s32 $0xFFFFFFFF;
	p2 =	slt.u32 s8, $0xFFFFF086  }
0x1c: {  	p1 =	slt.u32 s9, $0xF7A;
	s5 =	simm.s32 @!p2 $0x0  }
0x1d: {  	s5 =	simm.s32 @p1 $0x1;
	p0 =	seq.s32 s7, s2  }
0x1e: {  	s7 =	smul.u32 @!p0 $0xF7A, s2;
	p2 =	seq.s32 @!p0 s5, $0x0  }
0x1f: {  	s9 =	smul.u32 $0xF7A, s1;
	s8 =	simm.s32 @!p0 $0x1BF5;
	p2 =	por !p2, p0  }
0x20: {  	[sflag:s8] =	ssyncset.s32 @!p0 $0xFFFFF086;
	s6 =	sadd.s32 @!p0 s3, s7;
	s7 =	simm.s32 @!p0 $0x108  }
0x21: {  	s3 =	sadd.s32 s3, s9;
	s6 =	sadd.s32 @!p0 $0x88, s6;
	s7 =	simm.s32 @p2 $0x1082  }
0x22: {  	[simem:s7], [sflag:s8] =	dma.local @!p0 [hbm:s6], $0xF7A  }
0x23: {  	s9 =	sor.u32 $0xD0000000, s2;
	s6 =	simm.s32 $0x108;
	_ =	swait.ge @!p0 [sflag:s8], $0x0  }
0x24: {  	s3 =	sadd.s32 $0x88, s3;
	s6 =	simm.s32 @!p1 $0x1082;
	[sflag:s4] =	ssyncset.s32 $0xFFFFF086  }
0x25: {  	[simem:s6], [sflag:s4] =	dma.local [hbm:s3], $0xF7A  }
0x26: {  	[smem:$0x3F9F] =	sst s1;
	(tag) =	ssettag s2;
	_ =	strace s9  }
0x27: {  	s1 =	sld [smem:$0x3FAF]  }
0x28: {  	s2 =	sld [smem:$0x3FB0]  }
0x29: {  	s4 =	sld [smem:$0x3FB2]  }
0x2a: {  	p0 =	seq.s32 s5, $0x0;
	s5 =	sld [smem:$0x3FB3]  }
0x2b: {  	s6 =	sld [smem:$0x3FB4]  }
0x2c: {  	s7 =	sld [smem:$0x3FB5]  }
0x2d: {  	s3 =	simm.s32 $0x108;
	s8 =	sld [smem:$0x3FB6]  }
0x2e: {  	s3 =	simm.s32 @!p0 $0x1082;
	s9 =	sld [smem:$0x3FB7]  }
0x2f: {  	lr =	sadd.s32 s0, s3;
	s0 =	sld [smem:$0x3FAE]  }
0x30: {  	s3 =	sld [smem:$0x3FB1]  }
0x31: {  	[smem:$0x3FBA] =	sst s10  }
0x32: {  	s10 =	sld [smem:$0x3FB8];
	_ =	sdelay $0x3  }
0x33: {  	p0 =	seq.s32 s10, $0x1;
	s10 =	sld [smem:$0x3FBA];
	_ =	sdelay $0x3  }
0x34: {  	[smem:$0x3FBA] =	sst s10  }
0x35: {  	s10 =	sld [smem:$0x3FB9];
	_ =	sdelay $0x3  }
0x36: {  	p1 =	seq.s32 s10, $0x1;
	s10 =	sld [smem:$0x3FBA];
	_ =	sdelay $0x3  }
0x37: {  	[smem:$0x3FBA] =	sst s10  }
0x38: {  	s10 =	sld [smem:$0x3FBB]  }
0x39: {  	_ = 	snop;
	(pc) =	sbr.ind lr, $3  }
0x3a: {  	_ = 	snop  }
0x3b: {  	_ = 	snop  }
0x3c: {  	p2 =	seq.s32 s10, $0x1;
	s10 =	sld [smem:$0x3FBA]  }
0x3d: {  	_ =	shalt  }
0x3e: {  	_ =	shalt  }
0x3f: {  	_ =	shalt  }
0x40: {  	_ =	shalt  }
0x41: {  	_ =	shalt  }
0x42: {  	_ =	shalt  }
0x43: {  	_ =	shalt  }
0x44: {  	_ =	shalt  }
0x45: {  	_ =	shalt  }
0x46: {  	_ =	shalt  }
0x47: {  	_ =	shalt  }
0x48: {  	_ =	shalt  }
0x49: {  	_ =	shalt  }
0x4a: {  	_ =	shalt  }
0x4b: {  	_ =	shalt  }
0x4c: {  	_ =	shalt  }
0x4d: {  	_ =	shalt  }
0x4e: {  	_ =	shalt  }
0x4f: {  	_ =	shalt  }
0x50: {  	_ =	shalt  }
0x51: {  	_ =	shalt  }
0x52: {  	_ =	shalt  }
0x53: {  	_ =	shalt  }
0x54: {  	_ =	shalt  }
0x55: {  	_ =	shalt  }
0x56: {  	_ =	shalt  }
0x57: {  	_ =	shalt  }
0x58: {  	_ =	shalt  }
0x59: {  	_ =	shalt  }
0x5a: {  	_ =	shalt  }
0x5b: {  	_ =	shalt  }
0x5c: {  	_ =	shalt  }
0x5d: {  	_ =	shalt  }
0x5e: {  	_ =	shalt  }
0x5f: {  	_ =	shalt  }
0x60: {  	_ =	shalt  }
0x61: {  	_ =	shalt  }
0x62: {  	_ =	shalt  }
0x63: {  	_ =	shalt  }
0x64: {  	_ =	shalt  }
0x65: {  	_ =	shalt  }
0x66: {  	_ =	shalt  }
0x67: {  	_ =	shalt  }
0x68: {  	_ =	shalt  }
0x69: {  	_ =	shalt  }
0x6a: {  	_ =	shalt  }
0x6b: {  	_ =	shalt  }
0x6c: {  	_ =	shalt  }
0x6d: {  	_ =	shalt  }
0x6e: {  	_ =	shalt  }
0x6f: {  	_ =	shalt  }
0x70: {  	_ =	shalt  }
0x71: {  	_ =	shalt  }
0x72: {  	_ =	shalt  }
0x73: {  	_ =	shalt  }
0x74: {  	_ =	shalt  }
0x75: {  	_ =	shalt  }
0x76: {  	_ =	shalt  }
0x77: {  	_ =	shalt  }
0x78: {  	_ =	shalt  }
0x79: {  	_ =	shalt  }
0x7a: {  	_ =	shalt  }
0x7b: {  	_ =	shalt  }
0x7c: {  	_ =	shalt  }
0x7d: {  	_ =	shalt  }
0x7e: {  	_ =	shalt  }
0x7f: {  	_ =	shalt  }
0x80: {  	_ =	shalt  }
0x81: {  	_ =	shalt  }
0x82: {  	_ =	shalt  }
0x83: {  	_ =	shalt  }
0x84: {  	_ =	shalt  }
0x85: {  	_ =	shalt  }
0x86: {  	_ =	shalt  }
0x87: {  	_ =	shalt  }
.Lfunc_end0:
.L_simem_size_0:
called_computation_lowered:
.L_overlay_start_0:
0x88: {  	s2 =	sld [smem:$0x3FD9]  }
0x89: {  	s3 =	sld [smem:$0x3FFE];
	_ =	sdelay $0x1  }
0x8a: {  	s1 =	srdreg.scid  }
0x8b: {  	s0 =	sand.u32 $0x1, s1  }
0x8c: {  	s17 =	sshll.u32 s0, $0xA;
	s2 =	sadd.s32 s3, s2  }
0x8d: {  	s2 =	sadd.s32 s2, s17  }
0x8e: {  	[smem:$0x3FC6] =	sst s2  }
0x8f: {  	_ = 	snop  }
0x90: {  	s2 =	sld [smem:$0x3FC9]  }
0x91: {  	s18 =	sld [smem:$0x3FC8]  }
0x92: {  	s4 =	sld [smem:$0x3FD0];
	(tm) =	ssettm $0x1  }
0x93: {  	s5 =	sld [smem:$0x3FFB];
	_ =	sdelay $0x3  }
0x94: {  	_ =	strace s5  }
0x95: {  	s5 =	sld [smem:$0x3FFC];
	_ =	sdelay $0x3  }
0x96: {  	_ =	strace s5  }
0x97: {  	s5 =	sld [smem:$0x3FFD];
	_ =	sdelay $0x3  }
0x98: {  	_ =	strace s5  }
0x99: {  	_ =	strace $0x8FFFFFFF  }
0x9a: {  	s19 =	sld [smem:$0x3FDB];
	_ =	sdelay $0x1  }
0x9b: {  	s6 =	simm.s32 $_scs_section_size  }
0x9c: {  	s7 =	simm.s32 $_size__tile_overlayer_lowered;
	s8 =	simm.s32 $_tile_overlayer_lowered  }
0x9d: {  	s22 =	simm.s32 $0x1BFF;
	s21 =	sshll.u32 s8, $0x1;
	s5 =	sadd.s32 s6, s19  }
0x9e: {  	s9 =	simm.s32 $0x0;
	s20 =	sshll.u32 s7, $0x1;
	s7 =	sadd.s32 s21, s5  }
0x9f: {  	[timem:s9], [sflag:s22] =	dma.local [hbm:s7], s20  }
0xa0: {  	_ =	swait.ge [sflag:s22], s20  }
0xa1: {  	s6 =	ssub.s32 $0x0, s20;
	[sflag:s22] =	ssyncset.done $0x0  }
0xa2: {  	[sflag:s22] =	ssyncadd.s32 s6;
	_ =	sdelay $0x1  }
0xa3: {  	s23 =	simm.s32 $0x1B8B  }
0xa4: {  	_ =	swait.ge [sflag:s23], $0x1  }
0xa5: {  	[sflag:s23] =	ssyncset.done $0x0  }
0xa6: {  	s25 =	simm.s32 $0x1B8E;
	s24 =	sld [smem:$0x3FFE];
	[sflag:s23] =	ssyncadd.s32 $0xFFFFFFFF  }
0xa7: {  	s26 =	simm.s32 $execute0_lowered;
	[smem:$0x3FD2] =	sst s25  }
0xa8: {  	s7 =	sshll.u32 s26, $0x1;
	_ =	strace $0x80000046;
	[dreg:$0x1] =	wrdreg $0xFFFFFFFF  }
0xa9: {  	s28 =	simm.s32 $_size_execute0_lowered;
	s5 =	sadd.s32 s5, s7;
	[dreg:$0x0] =	wrdreg $0x0  }
0xaa: {  	s7 =	sshll.u32 s28, $0x1;
	[dreg:$0x2] =	wrdreg s5  }
0xab: {  	[dreg:$0x3] =	wrdreg s7  }
0xac: {  	[dreg:$0x4] =	wrdreg $0xC0  }
0xad: {  	_ =	task [dreg:s9], $0x5FFFF  }
0xae: {  	[dreg:$0x1] =	wrdreg $0xFFFFFFFF  }
0xaf: {  	[dreg:$0x0] =	wrdreg $0x60  }
0xb0: {  	[dreg:$0x2] =	wrdreg s2  }
0xb1: {  	[dreg:$0x3] =	wrdreg s18  }
0xb2: {  	[dreg:$0x4] =	wrdreg s4  }
0xb3: {  	[dreg:$0x5] =	wrdreg s24  }
0xb4: {  	[dreg:$0x6] =	wrdreg $0x7E000  }
0xb5: {  	[dreg:$0x7] =	wrdreg $0x9  }
0xb6: {  	_ =	task.clear_ibuf [dreg:s9], $0x8FFFF;
	_ =	strace $0x90000046  }
0xb7: {  	s29 =	simm.s32 $0x9;
	_ =	strace $0x80000048  }
0xb8: {  	_ =	swait.ge [sflag:s29], $0x1  }
0xb9: {  	[sflag:s29] =	ssyncadd.s32 $0xFFFFFFFF  }
0xba: {  	_ =	strace $0x90000048  }
0xbb: {  	_ =	sfence  }
0xbc: {  	s30 =	sld [smem:$0x0];
	_ =	sdelay $0x2  }
0xbd: {  	s31 =	sshll.u32 s1, $0xD;
	s1 =	sshrl.u32 s1, $0x2  }
0xbe: {  	s3 =	sand.u32 $0x4000, s31;
	s1 =	sadd.s32 s1, s30  }
0xbf: {  	s0 =	sor.u32 s3, s0;
	s1 =	sshll.u32 s1, $0x11  }
0xc0: {  	s0 =	sor.u32 s1, s0  }
0xc1: {  	s0 =	sadd.s32 $0x8F2B, s0  }
0xc2: {  	[sflag:s0] =	ssyncadd.remote.s32 $0x1  }
0xc3: {  	_ =	sfence.sel $0xFFFF  }
0xc4: {  	[dreg:$0x0] =	wrdreg $0xFFFFFFFF;
	(pc) =	sbr.abs _section_cstart, $3  }
0xc5: {  	[dreg:$0x1] =	wrdreg $0xFFFFFFFF  }
0xc6: {  	_ =	task.clear_ibuf [dreg:s9], $0x2FFFF;
	_ =	strace $0x9FFFFFFF  }
0xc7: {  	(tm) =	ssettm $0x7FFFFFFF  }
tec
execute0_lowered:
.L_overlay_start_1:
0x0: {  	(tag) =	ssettag $0x1  }
0x1: {  	s0 =	rddreg [dreg:$0x0]  }
0x2: {  	s10 =	rddreg [dreg:$0x1]  }
0x3: {  	s1 =	rddreg [dreg:$0x3]  }
0x4: {  	s3 =	rddreg [dreg:$0x4];
	s2 =	srdreg.scid;
	s5 =	simm.s32 $0x0  }
0x5: {  	s11 =	stileid.u32;
	s31 =	simm.s32 $0x1400;
	s28 =	simm.s32 $0x5  }
0x6: {  	s2 =	sand.u32 $0x1, s2;
	[smem:$0x7FF] =	sst s5;
	s8 =	sshll.u32 s11, $0xA  }
0x7: {  	s14 =	sshll.u32 s11, $0xD;
	s15 =	smul.u32 $0x2710, s11;
	s16 =	sshll.u32 s11, $0x6  }
0x8: {  	s4 =	sshll.u32 s2, $0x4;
	_ =	strace $0x80000047;
	s6 =	ssub.s32 $0x2, s2  }
0x9: {  	s1 =	sadd.s32 s8, s1;
	s12 =	smul.u32 $0x271000, s2;
	s13 =	sshll.u32 s2, $0xE  }
0xa: {  	s2 =	smul.u32 $0x27100, s2;
	s4 =	sor.u32 s11, s4;
	s9 =	sshrl.u32 s6, $0x1  }
0xb: {  	s1 =	sadd.s32 s13, s1;
	s13 =	simm.s32 $0x28;
	s7 =	smul.u32 $0x2710, s4  }
0xc: {  	s4 =	smul.u32 $0x27100, s4;
	s6 =	ssub.s32 s6, s9;
	s1 =	sadd.s32 $0x600, s1  }
0xd: {  	s2 =	sadd.s32 s15, s2;
	s15 =	simm.s32 $0x7;
	[dreg:$0x14] =	wrdreg s1  }
0xe: {  	s17 =	sshrl.u32 s7, $0x3;
	s4 =	sadd.s32 s0, s4;
	s19 =	sadd.s32 $0x28, s7  }
0xf: {  	s21 =	sadd.s32 $0x50, s7;
	s24 =	sadd.s32 $0x78, s7;
	s29 =	sadd.s32 $0xA0, s7  }
0x10: {  	s7 =	sadd.s32 $0xC8, s7;
	[dreg:$0x6] =	wrdreg s4;
	s18 =	sadd.s32 s10, s17  }
0x11: {  	s20 =	sshll.u32 s19, $0x4;
	s4 =	sshrl.u32 s19, $0x3;
	s22 =	sshll.u32 s21, $0x4  }
0x12: {  	s23 =	sshrl.u32 s21, $0x3;
	s25 =	sshll.u32 s24, $0x4;
	s30 =	sshll.u32 s29, $0x4  }
0x13: {  	s9 =	sshrl.u32 s7, $0x3;
	s21 =	smax.u32 s6, $0x1;
	[dreg:$0x7] =	wrdreg s18  }
0x14: {  	s17 =	smul.u32 $0x27100, s11;
	s8 =	sadd.s32 s0, s20;
	[dreg:$0x15] =	wrdreg s21  }
0x15: {  	s6 =	simm.s32 $0x3C00;
	s4 =	sadd.s32 s10, s4;
	[dreg:$0x8] =	wrdreg s8  }
0x16: {  	s18 =	sadd.s32 $0x1B8, s2;
	s21 =	simm.s32 $0x3;
	[dreg:$0x9] =	wrdreg s4  }
0x17: {  	s4 =	sadd.s32 s0, s22;
	s8 =	sshrl.u32 s24, $0x3;
	s24 =	sadd.s32 $0x140, s2  }
0x18: {  	[dreg:$0xa] =	wrdreg s4;
	s4 =	sadd.s32 s10, s23;
	s26 =	sadd.s32 s10, s8  }
0x19: {  	s8 =	sadd.s32 s0, s30;
	s23 =	sadd.s32 $0x168, s2;
	[dreg:$0xb] =	wrdreg s4  }
0x1a: {  	s1 =	sshrl.u32 s24, $0x3;
	s30 =	sadd.s32 $0xF0, s2;
	[dreg:$0xd] =	wrdreg s26  }
0x1b: {  	s24 =	simm.s32 $0x4;
	s4 =	sadd.s32 s0, s25;
	[dreg:$0xe] =	wrdreg s8  }
0x1c: {  	s8 =	sshll.u32 s7, $0x4;
	s25 =	sadd.s32 $0x118, s2;
	[dreg:$0x1b] =	wrdreg s30  }
0x1d: {  	s26 =	sadd.s32 s1, s10;
	[dreg:$0xc] =	wrdreg s4;
	s4 =	sshrl.u32 s29, $0x3  }
0x1e: {  	s7 =	simm.s32 $0xD;
	[dreg:$0x19] =	wrdreg s26;
	s4 =	sadd.s32 s10, s4  }
0x1f: {  	s1 =	simm.s32 $0xC;
	s26 =	simm.s32 $0xA;
	[dreg:$0xf] =	wrdreg s4  }
0x20: {  	s4 =	sadd.s32 s0, s8;
	s0 =	sadd.s32 s12, s0;
	s8 =	sadd.s32 s14, s3  }
0x21: {  	s12 =	simm.s32 $0x1;
	[dreg:$0x10] =	wrdreg s4;
	s4 =	sadd.s32 s10, s9  }
0x22: {  	[dreg:$0x12] =	wrdreg s8;
	s8 =	sor.u32 $0x1C0D, s16;
	s20 =	sadd.s32 s17, s0  }
0x23: {  	s0 =	sshrl.u32 s18, $0x3;
	s9 =	simm.s32 $0x6400;
	s16 =	simm.s32 $0x2  }
0x24: {  	s18 =	simm.s32 $0x8;
	[dreg:$0x11] =	wrdreg s4;
	s4 =	sadd.s32 $0x190, s2  }
0x25: {  	s0 =	sadd.s32 s0, s10;
	s2 =	simm.s32 $0x0;
	[dreg:$0x13] =	wrdreg s8  }
.Ltmp0:
0x26: {  	s19 =	sshrl.u32 s4, $0x3;
	[dreg:$0x16] =	wrdreg s0;
	(pc) =	sbr.rel .LBB2_1-.Ltmp0, $4  }
0x27: {  	s0 =	sshrl.u32 s23, $0x3;
	s4 =	sshrl.u32 s25, $0x3;
	s22 =	sadd.s32 s19, s10  }
0x28: {  	s23 =	simm.s32 $0x9;
	s0 =	sadd.s32 s0, s10;
	[dreg:$0x17] =	wrdreg s22  }
0x29: {  	s25 =	simm.s32 $0x7C80;
	s29 =	sadd.s32 s4, s10;
	[dreg:$0x18] =	wrdreg s0  }
0x2a: {  	s4 =	simm.s32 $0x2800;
	s19 =	simm.s32 $0x6;
	[dreg:$0x1a] =	wrdreg s29  }
.LBB2_4:
0x2b: {  	_ =	swait.ge [sflag:s12], $0x1400  }
0x2c: {  	[sflag:s12] =	ssyncset.done $0x0  }
0x2d: {  	[sflag:s12] =	ssyncadd.s32 $0xFFFFEC00  }
0x2e: {  	_ =	swait.ge [sflag:s12], $0x28  }
0x2f: {  	[sflag:s12] =	ssyncset.done $0x0  }
0x30: {  	[sflag:s12] =	ssyncadd.s32 $0xFFFFFFD8  }
0x31: {  	v0 =	vld [tilespmem:$0x7800]  }
0x32: {  	v1 =	vld [tilespmem:$0x7810];
	_ =	sdelay $0x3  }
0x33: {  	[tilespmem:$0x7B00] =	vst v0  }
0x34: {  	s0 =	simm.s32 $0x7B00;
	[tilespmem:$0x7B10] =	vst v1  }
0x35: {  	[spmem:s3] =	stream.indirect.scatter.add.f32 [tilespmem:s5], [sflag:$0x7], $0x80, s0, s13, $0xb8;
	[tilespmem:$0x9E00] =	vst v63  }
0x36: {  	_ =	swait.ge [sflag:s16], $0x1400  }
0x37: {  	[sflag:s16] =	ssyncset.done $0x0  }
0x38: {  	[sflag:s16] =	ssyncadd.s32 $0xFFFFEC00  }
0x39: {  	_ =	swait.ge [sflag:s16], $0x28  }
0x3a: {  	[sflag:s16] =	ssyncset.done $0x0  }
0x3b: {  	[sflag:s16] =	ssyncadd.s32 $0xFFFFFFD8  }
0x3c: {  	v58 =	vld [tilespmem:$0x7880]  }
0x3d: {  	v59 =	vld [tilespmem:$0x7890];
	_ =	sdelay $0x3  }
0x3e: {  	[tilespmem:$0x7B80] =	vst v58  }
0x3f: {  	s11 =	simm.s32 $0x7B80;
	[tilespmem:$0x7B90] =	vst v59  }
0x40: {  	[spmem:s3] =	stream.indirect.scatter.add.f32 [tilespmem:s31], [sflag:$0x8], $0x80, s11, s13, $0xb8;
	[tilespmem:$0x9E00] =	vst v63  }
0x41: {  	_ =	swait.ge [sflag:s21], $0x1400  }
0x42: {  	[sflag:s21] =	ssyncset.done $0x0  }
0x43: {  	[sflag:s21] =	ssyncadd.s32 $0xFFFFEC00  }
0x44: {  	_ =	swait.ge [sflag:s21], $0x28  }
0x45: {  	[sflag:s21] =	ssyncset.done $0x0  }
0x46: {  	[sflag:s21] =	ssyncadd.s32 $0xFFFFFFD8  }
0x47: {  	v60 =	vld [tilespmem:$0x7900]  }
0x48: {  	v61 =	vld [tilespmem:$0x7910];
	_ =	sdelay $0x3  }
0x49: {  	[tilespmem:$0x7C00] =	vst v60  }
0x4a: {  	s14 =	simm.s32 $0x7C00;
	[tilespmem:$0x7C10] =	vst v61  }
0x4b: {  	[spmem:s3] =	stream.indirect.scatter.add.f32 [tilespmem:s4], [sflag:$0x9], $0x80, s14, s13, $0xb8;
	[tilespmem:$0x9E00] =	vst v63  }
0x4c: {  	_ =	swait.ge [sflag:s24], $0x1400  }
0x4d: {  	[sflag:s24] =	ssyncset.done $0x0  }
0x4e: {  	[sflag:s24] =	ssyncadd.s32 $0xFFFFEC00  }
0x4f: {  	_ =	swait.ge [sflag:s24], $0x28  }
0x50: {  	[sflag:s24] =	ssyncset.done $0x0  }
0x51: {  	[sflag:s24] =	ssyncadd.s32 $0xFFFFFFD8  }
0x52: {  	v62 =	vld [tilespmem:$0x7980]  }
0x53: {  	v63 =	vld [tilespmem:$0x7990];
	_ =	sdelay $0x3  }
0x54: {  	[tilespmem:$0x7C80] =	vst v62  }
0x55: {  	[tilespmem:$0x7C90] =	vst v63  }
0x56: {  	[spmem:s3] =	stream.indirect.scatter.add.f32 [tilespmem:s6], [sflag:$0xA], $0x80, s25, s13, $0xb8;
	[tilespmem:$0x9E00] =	vst v63  }
0x57: {  	_ =	swait.ge [sflag:s15], $0x1400  }
0x58: {  	[sflag:s15] =	ssyncset.done $0x0  }
0x59: {  	[sflag:s15] =	ssyncadd.s32 $0xFFFFEC00  }
0x5a: {  	_ =	swait.ge [sflag:s18], $0x1400  }
0x5b: {  	[sflag:s18] =	ssyncset.done $0x0  }
0x5c: {  	[sflag:s18] =	ssyncadd.s32 $0xFFFFEC00  }
0x5d: {  	_ =	swait.ge [sflag:s23], $0x1400  }
0x5e: {  	[sflag:s23] =	ssyncset.done $0x0  }
0x5f: {  	[sflag:s23] =	ssyncadd.s32 $0xFFFFEC00  }
0x60: {  	_ =	swait.ge [sflag:s26], $0x1400  }
0x61: {  	[sflag:s26] =	ssyncset.done $0x0  }
0x62: {  	s17 =	simm.s32 $0xB;
	[sflag:s26] =	ssyncadd.s32 $0xFFFFEC00  }
0x63: {  	_ =	swait.ge [sflag:s17], $0x1400  }
0x64: {  	[sflag:s17] =	ssyncset.done $0x0  }
0x65: {  	[sflag:s17] =	ssyncadd.s32 $0xFFFFEC00  }
0x66: {  	_ =	swait.ge [sflag:s1], $0x1400  }
0x67: {  	[sflag:s1] =	ssyncset.done $0x0  }
0x68: {  	[sflag:s1] =	ssyncadd.s32 $0xFFFFEC00  }
0x69: {  	[bflag:$0x0] =	sbarrier.arrive $0xFFFF  }
0x6a: {  	s8 =	rddreg [dreg:$0x13]  }
0x6b: {  	s22 =	rddreg [dreg:$0x14]  }
0x6c: {  	s7 =	simm.s32 $0xD;
	s2 =	rddreg [dreg:$0x1d]  }
0x6d: {  	[hbm:s22], [sflag:s8] =	dma.local [spmem:s2], $0x400  }
0x6e: {  	_ =	swait.ge [sflag:s7], $0x400  }
0x6f: {  	s29 =	rddreg [dreg:$0x1c]  }
0x70: {  	s30 =	rddreg [dreg:$0x15];
	s2 =	sadd.s32 $0x1, s29  }
0x71: {  	p0 =	sne.s32 s2, s30  }
.Ltmp1:
0x72: {  	_ = 	snop;
	(pc) =	sbr.rel @!p0 .LBB2_5-.Ltmp1, $3  }
0x73: {  	_ =	sdelay $0x1  }
0x74: {  	[sflag:s7] =	ssyncset.done $0x0  }
0x75: {  	[sflag:s7] =	ssyncadd.s32 $0xFFFFFC00  }
.LBB2_1:
0x76: {  	[dreg:$0x1c] =	wrdreg s2  }
0x77: {  	s0 =	rddreg [dreg:$0x6]  }
0x78: {  	s22 =	rddreg [dreg:$0x7]  }
0x79: {  	s10 =	rddreg [dreg:$0x8]  }
0x7a: {  	[tilespmem:s5], [sflag:$0x1] =	stream.linear.gather [hbm4b:s0+s5], $0x1400, $0x38;
	[tilespmem:$0x9E00] =	vst v63  }
0x7b: {  	s29 =	simm.s32 $0x7800;
	s11 =	rddreg [dreg:$0x9]  }
0x7c: {  	[tilespmem:s29], [sflag:$0x1] =	stream.linear.gather [hbm4b:s22+s5], $0x28, $0x38;
	[tilespmem:$0x9E00] =	vst v63  }
0x7d: {  	s17 =	rddreg [dreg:$0xa]  }
0x7e: {  	[tilespmem:s31], [sflag:$0x2] =	stream.linear.gather [hbm4b:s10+s5], $0x1400, $0x38;
	[tilespmem:$0x9E00] =	vst v63  }
0x7f: {  	s14 =	simm.s32 $0x7880;
	s2 =	rddreg [dreg:$0xc]  }
0x80: {  	[tilespmem:s14], [sflag:$0x2] =	stream.linear.gather [hbm4b:s11+s5], $0x28, $0x38;
	[tilespmem:$0x9E00] =	vst v63  }
0x81: {  	s22 =	rddreg [dreg:$0xb]  }
0x82: {  	[tilespmem:s4], [sflag:$0x3] =	stream.linear.gather [hbm4b:s17+s5], $0x1400, $0x38;
	[tilespmem:$0x9E00] =	vst v63  }
0x83: {  	s29 =	simm.s32 $0x7900;
	s10 =	rddreg [dreg:$0xd]  }
0x84: {  	[tilespmem:s29], [sflag:$0x3] =	stream.linear.gather [hbm4b:s22+s5], $0x28, $0x38;
	[tilespmem:$0x9E00] =	vst v63  }
0x85: {  	s14 =	rddreg [dreg:$0xe]  }
0x86: {  	[tilespmem:s6], [sflag:$0x4] =	stream.linear.gather [hbm4b:s2+s5], $0x1400, $0x38;
	[tilespmem:$0x9E00] =	vst v63  }
0x87: {  	s11 =	simm.s32 $0x7980;
	s22 =	rddreg [dreg:$0xf]  }
0x88: {  	[tilespmem:s11], [sflag:$0x4] =	stream.linear.gather [hbm4b:s10+s5], $0x28, $0x38;
	[tilespmem:$0x9E00] =	vst v63  }
0x89: {  	s10 =	rddreg [dreg:$0x10]  }
0x8a: {  	s17 =	simm.s32 $0x5000;
	s11 =	rddreg [dreg:$0x11]  }
0x8b: {  	[tilespmem:s17], [sflag:$0x5] =	stream.linear.gather [hbm4b:s14+s5], $0x1400, $0x38;
	[tilespmem:$0x9E00] =	vst v63  }
0x8c: {  	s29 =	simm.s32 $0x7A00;
	s17 =	rddreg [dreg:$0x12]  }
0x8d: {  	[tilespmem:s29], [sflag:$0x5] =	stream.linear.gather [hbm4b:s22+s5], $0x28, $0x38;
	[tilespmem:$0x9E00] =	vst v63  }
0x8e: {  	s22 =	sshrl.u32 s17, $0x3;
	s29 =	rddreg [dreg:$0x2]  }
0x8f: {  	[tilespmem:s9], [sflag:$0x6] =	stream.linear.gather [hbm4b:s10+s5], $0x1400, $0x38;
	[tilespmem:$0x9E00] =	vst v63  }
0x90: {  	s14 =	simm.s32 $0x7A80;
	[dreg:$0x1d] =	wrdreg s22  }
0x91: {  	[tilespmem:s14], [sflag:$0x6] =	stream.linear.gather [hbm4b:s11+s5], $0x28, $0x38;
	[tilespmem:$0x9E00] =	vst v63  }
0x92: {  	[spmem:s22], [sflag:s8] =	dma.local [hbm:s29], $0x400  }
0x93: {  	_ =	swait.ge [sflag:s7], $0x400  }
0x94: {  	[sflag:s7] =	ssyncset.done $0x0  }
0x95: {  	[sflag:s7] =	ssyncadd.s32 $0xFFFFFC00  }
0x96: {  	[bflag:$0x0] =	sbarrier.arrive $0xFFFF  }
0x97: {  	s30 =	rddreg [dreg:$0x1b]  }
0x98: {  	s10 =	rddreg [dreg:$0x1a]  }
0x99: {  	s0 =	rddreg [dreg:$0x19]  }
0x9a: {  	s2 =	rddreg [dreg:$0x18]  }
0x9b: {  	s7 =	rddreg [dreg:$0x17]  }
0x9c: {  	s14 =	simm.s32 $0x0;
	s8 =	rddreg [dreg:$0x16]  }
.LBB2_2:
0x9d: {  	_ =	swait.ge [sflag:s12], $0x1400  }
0x9e: {  	[sflag:s12] =	ssyncset.done $0x0  }
0x9f: {  	[sflag:s12] =	ssyncadd.s32 $0xFFFFEC00  }
0xa0: {  	_ =	swait.ge [sflag:s12], $0x28  }
0xa1: {  	[sflag:s12] =	ssyncset.done $0x0  }
0xa2: {  	[sflag:s12] =	ssyncadd.s32 $0xFFFFFFD8  }
0xa3: {  	v0 =	vld [tilespmem:$0x7800]  }
0xa4: {  	v1 =	vld [tilespmem:$0x7810];
	_ =	sdelay $0x3  }
0xa5: {  	[tilespmem:$0x7B00] =	vst v0  }
0xa6: {  	s11 =	simm.s32 $0x7B00;
	[tilespmem:$0x7B10] =	vst v1  }
0xa7: {  	[spmem:s3] =	stream.indirect.scatter.add.f32 [tilespmem:s5], [sflag:$0x7], $0x80, s11, s13, $0xb8;
	[tilespmem:$0x9E00] =	vst v63  }
0xa8: {  	_ =	swait.ge [sflag:s15], $0x1400  }
0xa9: {  	s17 =	sadd.s32 s14, s20;
	[sflag:s15] =	ssyncset.done $0x0  }
0xaa: {  	s29 =	sadd.s32 $0xF00, s17;
	[sflag:s15] =	ssyncadd.s32 $0xFFFFEC00  }
0xab: {  	[tilespmem:s5], [sflag:$0x1] =	stream.linear.gather [hbm4b:s29+s5], $0x1400, $0x38;
	[tilespmem:$0x9E00] =	vst v63  }
0xac: {  	s11 =	sshrl.u32 s30, $0x3;
	s22 =	rddreg [dreg:$0x1]  }
0xad: {  	s29 =	sadd.s32 s22, s11;
	s22 =	simm.s32 $0x7800  }
0xae: {  	[tilespmem:s22], [sflag:$0x1] =	stream.linear.gather [hbm4b:s29+s5], $0x28, $0x38;
	[tilespmem:$0x9E00] =	vst v63  }
0xaf: {  	_ =	swait.ge [sflag:s16], $0x1400  }
0xb0: {  	[sflag:s16] =	ssyncset.done $0x0  }
0xb1: {  	[sflag:s16] =	ssyncadd.s32 $0xFFFFEC00  }
0xb2: {  	_ =	swait.ge [sflag:s16], $0x28  }
0xb3: {  	[sflag:s16] =	ssyncset.done $0x0  }
0xb4: {  	[sflag:s16] =	ssyncadd.s32 $0xFFFFFFD8  }
0xb5: {  	v54 =	vld [tilespmem:$0x7880]  }
0xb6: {  	v55 =	vld [tilespmem:$0x7890];
	_ =	sdelay $0x3  }
0xb7: {  	[tilespmem:$0x7B80] =	vst v54  }
0xb8: {  	s29 =	simm.s32 $0x7B80;
	[tilespmem:$0x7B90] =	vst v55  }
0xb9: {  	[spmem:s3] =	stream.indirect.scatter.add.f32 [tilespmem:s31], [sflag:$0x8], $0x80, s29, s13, $0xb8;
	[tilespmem:$0x9E00] =	vst v63  }
0xba: {  	_ =	swait.ge [sflag:s18], $0x1400  }
0xbb: {  	[sflag:s18] =	ssyncset.done $0x0  }
0xbc: {  	s11 =	sadd.s32 $0x1180, s17;
	[sflag:s18] =	ssyncadd.s32 $0xFFFFEC00  }
0xbd: {  	[tilespmem:s31], [sflag:$0x2] =	stream.linear.gather [hbm4b:s11+s5], $0x1400, $0x38;
	[tilespmem:$0x9E00] =	vst v63  }
0xbe: {  	s22 =	simm.s32 $0x7880  }
0xbf: {  	[tilespmem:s22], [sflag:$0x2] =	stream.linear.gather [hbm4b:s10+s5], $0x28, $0x38;
	[tilespmem:$0x9E00] =	vst v63  }
0xc0: {  	_ =	swait.ge [sflag:s21], $0x1400  }
0xc1: {  	[sflag:s21] =	ssyncset.done $0x0  }
0xc2: {  	[sflag:s21] =	ssyncadd.s32 $0xFFFFEC00  }
0xc3: {  	_ =	swait.ge [sflag:s21], $0x28  }
0xc4: {  	[sflag:s21] =	ssyncset.done $0x0  }
0xc5: {  	[sflag:s21] =	ssyncadd.s32 $0xFFFFFFD8  }
0xc6: {  	v56 =	vld [tilespmem:$0x7900]  }
0xc7: {  	v57 =	vld [tilespmem:$0x7910];
	_ =	sdelay $0x3  }
0xc8: {  	[tilespmem:$0x7C00] =	vst v56  }
0xc9: {  	s29 =	simm.s32 $0x7C00;
	[tilespmem:$0x7C10] =	vst v57  }
0xca: {  	[spmem:s3] =	stream.indirect.scatter.add.f32 [tilespmem:s4], [sflag:$0x9], $0x80, s29, s13, $0xb8;
	[tilespmem:$0x9E00] =	vst v63  }
0xcb: {  	_ =	swait.ge [sflag:s23], $0x1400  }
0xcc: {  	[sflag:s23] =	ssyncset.done $0x0  }
0xcd: {  	s22 =	sadd.s32 $0x1400, s17;
	[sflag:s23] =	ssyncadd.s32 $0xFFFFEC00  }
0xce: {  	[tilespmem:s4], [sflag:$0x3] =	stream.linear.gather [hbm4b:s22+s5], $0x1400, $0x38;
	[tilespmem:$0x9E00] =	vst v63  }
0xcf: {  	s29 =	simm.s32 $0x7900  }
0xd0: {  	[tilespmem:s29], [sflag:$0x3] =	stream.linear.gather [hbm4b:s0+s5], $0x28, $0x38;
	[tilespmem:$0x9E00] =	vst v63  }
0xd1: {  	_ =	swait.ge [sflag:s24], $0x1400  }
0xd2: {  	[sflag:s24] =	ssyncset.done $0x0  }
0xd3: {  	[sflag:s24] =	ssyncadd.s32 $0xFFFFEC00  }
0xd4: {  	_ =	swait.ge [sflag:s24], $0x28  }
0xd5: {  	[sflag:s24] =	ssyncset.done $0x0  }
0xd6: {  	[sflag:s24] =	ssyncadd.s32 $0xFFFFFFD8  }
0xd7: {  	v58 =	vld [tilespmem:$0x7980]  }
0xd8: {  	v59 =	vld [tilespmem:$0x7990];
	_ =	sdelay $0x3  }
0xd9: {  	[tilespmem:$0x7C80] =	vst v58  }
0xda: {  	[tilespmem:$0x7C90] =	vst v59  }
0xdb: {  	[spmem:s3] =	stream.indirect.scatter.add.f32 [tilespmem:s6], [sflag:$0xA], $0x80, s25, s13, $0xb8;
	[tilespmem:$0x9E00] =	vst v63  }
0xdc: {  	_ =	swait.ge [sflag:s26], $0x1400  }
0xdd: {  	[sflag:s26] =	ssyncset.done $0x0  }
0xde: {  	s11 =	sadd.s32 $0x1680, s17;
	[sflag:s26] =	ssyncadd.s32 $0xFFFFEC00  }
0xdf: {  	[tilespmem:s6], [sflag:$0x4] =	stream.linear.gather [hbm4b:s11+s5], $0x1400, $0x38;
	[tilespmem:$0x9E00] =	vst v63  }
0xe0: {  	s22 =	simm.s32 $0x7980  }
0xe1: {  	[tilespmem:s22], [sflag:$0x4] =	stream.linear.gather [hbm4b:s2+s5], $0x28, $0x38;
	[tilespmem:$0x9E00] =	vst v63  }
0xe2: {  	_ =	swait.ge [sflag:s28], $0x1400  }
0xe3: {  	[sflag:s28] =	ssyncset.done $0x0  }
0xe4: {  	[sflag:s28] =	ssyncadd.s32 $0xFFFFEC00  }
0xe5: {  	_ =	swait.ge [sflag:s28], $0x28  }
0xe6: {  	[sflag:s28] =	ssyncset.done $0x0  }
0xe7: {  	[sflag:s28] =	ssyncadd.s32 $0xFFFFFFD8  }
0xe8: {  	v60 =	vld [tilespmem:$0x7A00]  }
0xe9: {  	v61 =	vld [tilespmem:$0x7A10];
	_ =	sdelay $0x3  }
0xea: {  	[tilespmem:$0x7D00] =	vst v60  }
0xeb: {  	p0 =	seq.s32 s14, $0x25800;
	s29 =	simm.s32 $0x5000;
	s22 =	simm.s32 $0x7D00;
	[tilespmem:$0x7D10] =	vst v61  }
0xec: {  	[spmem:s3] =	stream.indirect.scatter.add.f32 [tilespmem:s29], [sflag:$0xB], $0x80, s22, s13, $0xb8;
	[tilespmem:$0x9E00] =	vst v63  }
0xed: {  	s29 =	simm.s32 @!p0 $0xB  }
0xee: {  	_ =	swait.ge @!p0 [sflag:s29], $0x1400  }
0xef: {  	[sflag:s29] =	ssyncset.done @!p0 $0x0  }
0xf0: {  	[sflag:s29] =	ssyncadd.s32 @!p0 $0xFFFFEC00;
	s29 =	sadd.s32 @!p0 s14, s20  }
0xf1: {  	s11 =	simm.s32 @!p0 $0x5000;
	s22 =	simm.s32 @!p0 $0x0;
	s29 =	sadd.s32 @!p0 $0x1900, s29  }
0xf2: {  	[tilespmem:s11], [sflag:$0x5] =	stream.linear.gather @!p0 [hbm4b:s29+s22], $0x1400, $0x38;
	[tilespmem:$0x9E00] =	vst v63  }
0xf3: {  	s11 =	simm.s32 @!p0 $0x7A00  }
0xf4: {  	[tilespmem:s11], [sflag:$0x5] =	stream.linear.gather @!p0 [hbm4b:s7+s22], $0x28, $0x38;
	[tilespmem:$0x9E00] =	vst v63  }
0xf5: {  	_ =	swait.ge [sflag:s19], $0x1400  }
0xf6: {  	[sflag:s19] =	ssyncset.done $0x0  }
0xf7: {  	[sflag:s19] =	ssyncadd.s32 $0xFFFFEC00  }
0xf8: {  	_ =	swait.ge [sflag:s19], $0x28  }
0xf9: {  	[sflag:s19] =	ssyncset.done $0x0  }
0xfa: {  	[sflag:s19] =	ssyncadd.s32 $0xFFFFFFD8  }
0xfb: {  	v62 =	vld [tilespmem:$0x7A80]  }
0xfc: {  	v63 =	vld [tilespmem:$0x7A90];
	_ =	sdelay $0x1  }
.Ltmp2:
0xfd: {  	_ = 	snop;
	(pc) =	sbr.rel @p0 .LBB2_4-.Ltmp2, $4  }
0xfe: {  	_ = 	snop  }
0xff: {  	[tilespmem:$0x7D80] =	vst v62  }
0x100: {  	s29 =	simm.s32 $0x7D80;
	[tilespmem:$0x7D90] =	vst v63  }
0x101: {  	[spmem:s3] =	stream.indirect.scatter.add.f32 [tilespmem:s9], [sflag:$0xC], $0x80, s29, s13, $0xb8;
	[tilespmem:$0x9E00] =	vst v63  }
0x102: {  	_ =	swait.ge [sflag:s1], $0x1400  }
0x103: {  	s11 =	sadd.s32 $0x1B80, s17;
	s29 =	simm.s32 $0x7A80;
	[sflag:s1] =	ssyncset.done $0x0  }
.Ltmp3:
0x104: {  	s14 =	sadd.s32 $0xF00, s14;
	[sflag:s1] =	ssyncadd.s32 $0xFFFFEC00;
	(pc) =	sbr.rel .LBB2_2-.Ltmp3, $4  }
0x105: {  	[tilespmem:s9], [sflag:$0x6] =	stream.linear.gather [hbm4b:s11+s5], $0x1400, $0x38;
	[tilespmem:$0x9E00] =	vst v63  }
0x106: {  	s7 =	sadd.s32 $0x1E, s7;
	s2 =	sadd.s32 $0x1E, s2;
	s0 =	sadd.s32 $0x1E, s0  }
0x107: {  	[tilespmem:s29], [sflag:$0x6] =	stream.linear.gather [hbm4b:s8+s5], $0x28, $0x38;
	[tilespmem:$0x9E00] =	vst v63  }
0x108: {  	s10 =	sadd.s32 $0x1E, s10;
	s30 =	sadd.s32 $0xF0, s30;
	s8 =	sadd.s32 $0x1E, s8  }
.LBB2_5:
0x109: {  	_ =	sfence.sel $0x180000  }
0x10a: {  	[bflag:$0x0] =	sbarrier.arrive $0xFFFF  }
0x10b: {  	_ =	strace $0x90000047  }
0x10c: {  	s0 =	stileid.u32;
	[bflag:$0x2] =	sbarrier.arrive $0xFFFF  }
0x10d: {  	p0 =	sne.s32 s0, $0x0;
	s0 =	rddreg [dreg:$0x5]  }
0x10e: {  	s0 =	sadd.s32 @!p0 $0x100000, s0  }
0x10f: {  	[sflag:s0] =	ssyncadd.tile.s32 @!p0 $0x1;
	_ =	shalt  }
.Lfunc_end2:
_tile_overlayer_lowered:
.L_overlay_start_2:
0x110: {  	(tag) =	ssettag $0x2  }
0x111: {  	s0 =	rddreg [dreg:$0x0];
	s2 =	stileid.u32  }
0x112: {  	s1 =	rddreg [dreg:$0x1];
	p0 =	sne.s32 s2, $0x0  }
0x113: {  	s3 =	rddreg [dreg:$0x2];
	[bflag:$0x3] =	sbarrier.arrive $0xFFFF;
	s2 =	simm.s32 @!p0 $0x1C0D  }
0x114: {  	[timem:s3], [sflag:s2] =	dma.local @!p0 [hbm:s0], s1  }
0x115: {  	s0 =	simm.s32 @!p0 $0xD  }
0x116: {  	_ =	swait.ge @!p0 [sflag:s0], s1  }
0x117: {  	s1 =	ssub.s32 @!p0 $0x0, s1;
	[sflag:s0] =	ssyncset.done @!p0 $0x0  }
0x118: {  	[sflag:s0] =	ssyncadd.s32 @!p0 s1  }
0x119: {  	[bflag:$0x3] =	sbarrier.arrive $0xFFFF  }
0x11a: {  	_ =	shalt  }

</sc_bundles>
